<compile_context>
chip_gen: v7x
topology: tpu7x:2x2x1
jax: 0.10.2.dev20260603
libtpu: 0.0.44.dev20260713+nightly
codegen_flags: <defaults>
</compile_context>

<pallas_src>
import functools

import jax
import jax.numpy as jnp
from jax import lax
from jax.experimental import pallas as pl
from jax.experimental.pallas import tpu as pltpu
from jax.experimental.pallas import tpu_sc as plsc

_TILE_N = 128
_W = 128
_NC, _NS = 2, 16
_NW = _NC * _NS


def _dist_argmin_body(scale, nsteps, z_ref, cbt2_ref, b2_ref,
                      idx_ref, loss_ref, best_s, bidx_s, lacc_s):
    i = pl.program_id(0)
    t = z_ref.shape[0]
    k = cbt2_ref.shape[1]

    par = i % 2
    bestp = best_s[1 - par]
    bidxp = bidx_s[1 - par]
    md = jnp.min(bestp, axis=1)
    lane = lax.broadcasted_iota(jnp.int32, (t, _W), 1)
    cand = bidxp * _W + lane
    idx = jnp.min(jnp.where(bestp == md[:, None], cand, jnp.int32(2**30)),
                  axis=1)
    idx_ref[0, 0, :] = idx
    lbase = jnp.where(i == 0, 0.0, lacc_s[...])
    lacc_s[...] = lbase + jnp.where(i > 0, md.reshape(t, 1), 0.0)

    z = z_ref[...]
    a2 = jnp.sum(z * z, axis=1, keepdims=True)
    zb = z.astype(jnp.bfloat16)
    cbt2 = cbt2_ref[...]
    ab2 = lax.dot_general(zb, cbt2, (((1,), (0,)), ((), ())),
                          preferred_element_type=jnp.float32)
    best = jnp.full((t, _W), jnp.inf, jnp.float32)
    bidx = jnp.zeros((t, _W), jnp.int32)
    for c in range(k // _W):
        d_c = (a2 - ab2[:, c * _W:(c + 1) * _W]) + b2_ref[:, c * _W:(c + 1) * _W]
        upd = d_c < best
        bidx = jnp.where(upd, jnp.int32(c), bidx)
        best = jnp.minimum(best, d_c)
    best_s[par] = best
    bidx_s[par] = bidx

    @pl.when(i == nsteps)
    def _():
        loss_ref[...] = (jnp.sum(lacc_s[...]) * scale).reshape(1, 1)


def _dist_argmin(z_flat, cbt2, b2):
    n, d = z_flat.shape
    k = cbt2.shape[1]
    nsteps = n // _TILE_N
    scale = 1.25 / float(n * d)
    return pl.pallas_call(
        functools.partial(_dist_argmin_body, scale, nsteps),
        grid=(nsteps + 1,),
        in_specs=[
            pl.BlockSpec((_TILE_N, d),
                         lambda i: (jnp.minimum(i, nsteps - 1), 0)),
            pl.BlockSpec((d, k), lambda i: (0, 0)),
            pl.BlockSpec((1, k), lambda i: (0, 0)),
        ],
        out_specs=[
            pl.BlockSpec((1, 1, _TILE_N),
                         lambda i: (jnp.maximum(i - 1, 0), 0, 0)),
            pl.BlockSpec((1, 1), lambda i: (0, 0)),
        ],
        out_shape=[
            jax.ShapeDtypeStruct((nsteps, 1, _TILE_N), jnp.int32),
            jax.ShapeDtypeStruct((1, 1), jnp.float32),
        ],
        scratch_shapes=[
            pltpu.VMEM((2, _TILE_N, _W), jnp.float32),
            pltpu.VMEM((2, _TILE_N, _W), jnp.int32),
            pltpu.VMEM((_TILE_N, 1), jnp.float32),
        ],
    )(z_flat, cbt2, b2)


def _sc_gather(codebook, idx):
    b = idx.shape[0]
    d = codebook.shape[1]
    bpw = b // _NW
    mesh = plsc.VectorSubcoreMesh(core_axis_name="c", subcore_axis_name="s")

    @functools.partial(
        pl.kernel,
        mesh=mesh,
        compiler_params=pltpu.CompilerParams(use_tc_tiling_on_sc=False),
        out_type=jax.ShapeDtypeStruct((b, d), jnp.float32),
        scratch_types=[
            pltpu.VMEM((bpw,), jnp.int32),
            pltpu.VMEM((bpw, d), jnp.float32),
            pltpu.SemaphoreType.DMA,
        ],
    )
    def gather_kernel(cb_hbm, idx_hbm, out_hbm, idx_v, rows_v, sem):
        wid = lax.axis_index("s") * _NC + lax.axis_index("c")
        base = wid * bpw
        pltpu.sync_copy(idx_hbm.at[pl.ds(base, bpw)], idx_v)
        pltpu.async_copy(cb_hbm.at[idx_v], rows_v, sem).wait()
        pltpu.sync_copy(rows_v, out_hbm.at[pl.ds(base, bpw)])

    return gather_kernel(codebook, idx)


def kernel(z, codebook):
    d = z.shape[-1]
    z_flat = z.reshape(-1, d)
    cbt = codebook.T
    cbt2 = (cbt + cbt).astype(jnp.bfloat16)
    b2 = jnp.sum(cbt ** 2, axis=0, keepdims=True)
    idx3, loss = _dist_argmin(z_flat, cbt2, b2)
    idx = idx3.reshape(-1)
    q = _sc_gather(codebook, idx)
    return q.reshape(z.shape), loss[0, 0]

# --- scband reference (transcript-rebuilt; emitter-appended) ---
"""Pipeline reference for scband-vqvae-17428977287173 (READ-ONLY COPY).

The authoritative reference and input builder live on the scoring server;
editing this copy changes nothing except your own understanding.
"""

import jax, jax.numpy as jnp
import numpy as np


def squared_euclidean_distance(a, b, b2=None, precision=None):
    """Pairwise squared Euclidean distance, matching the original module."""
    if b2 is None:
        b2 = jnp.sum(b.T ** 2, axis=0, keepdims=True)
    a2 = jnp.sum(a ** 2, axis=1, keepdims=True)
    ab = jnp.matmul(a, b.T, precision=precision)
    d = a2 - 2 * ab + b2
    return d


def setup_inputs(seed: int = 0) -> dict:
    key = jax.random.key(seed)
    k1, k2 = jax.random.split(key)
    # latent from encoder: [B, H/16, W/16, embedding_dim] = [16, 32, 32, 32]
    z = jax.random.normal(k1, (16, 32, 32, 32), dtype=jnp.float32)
    # learned codebook parameter: [codebook_size, embedding_dim]
    codebook = jax.random.normal(k2, (8192, 32), dtype=jnp.float32) * 0.02
    return {"z": z, "codebook": codebook}


def reference(z, codebook):
    commitment_cost = 0.25
    d = z.shape[-1]
    z_flat = z.reshape(-1, d)
    # [N, K] pairwise distances
    distances = squared_euclidean_distance(z_flat, codebook)
    encoding_indices = jnp.argmin(distances, axis=-1)
    # codebook gather (SparseCore-style embedding lookup)
    quantized = jnp.take(codebook, encoding_indices, axis=0).reshape(z.shape)
    # VQ losses
    e_latent_loss = jnp.mean((jax.lax.stop_gradient(quantized) - z) ** 2)
    q_latent_loss = jnp.mean((quantized - jax.lax.stop_gradient(z)) ** 2)
    loss = q_latent_loss + commitment_cost * e_latent_loss
    # straight-through estimator
    quantized_st = z + jax.lax.stop_gradient(quantized - z)
    return quantized_st, loss

if __name__ == "__main__":
    import jax
    _d = setup_inputs()
    print(jax.jit(kernel)(*tuple(_d.values())))

</pallas_src>

<mosaic_0001>
#map = affine_map<(d0, d1) -> (0, 0)>
#map1 = affine_map<(d0, d1) -> (0)>
module attributes {stable_mosaic.version = 14 : i64} {
  func.func @gather_kernel(%arg0: i32, %arg1: i32, %arg2: memref<8192x32xf32, #tpu.memory_space<hbm>>, %arg3: memref<16384xi32, #tpu.memory_space<hbm>>, %arg4: memref<16384x32xf32, #tpu.memory_space<hbm>>, %arg5: memref<512xi32, #tpu.memory_space<vmem>>, %arg6: memref<512x32xf32, #tpu.memory_space<vmem>>, %arg7: memref<!tpu.dma_semaphore, #tpu.memory_space<semaphore_mem>>) attributes {dimension_semantics = [#tpu.dimension_semantics<core_parallel>, #tpu.dimension_semantics<subcore_parallel>], iteration_bounds = array<i64: 2, 16>, scalar_prefetch = 0 : i64, scratch_operands = 3 : i64, tpu.core_type = #tpu.core_type<sc_vector_subcore>, window_params = [{transform_indices = #map}, {transform_indices = #map1}, {transform_indices = #map}]} {
    %mul3A = arith.constant 2 : i32
    %mul3A_0 = arith.muli %arg1, %mul3A : i32
    %add3A = arith.addi %mul3A_0, %arg0 : i32
    %mul3A_1 = arith.constant 512 : i32
    %mul3A_2 = arith.muli %add3A, %mul3A_1 : i32
    "tpu.region"() ({
      %run_scoped3A = tpu.sem_alloc : memref<!tpu.dma_semaphore, #tpu.memory_space<semaphore_mem>>
      %dma_start3A_7 = tpu.memref_slice %arg3[%mul3A_2] : memref<16384xi32, #tpu.memory_space<hbm>> -> memref<512xi32, #tpu.memory_space<hbm>>
      %dma_start3A_8 = tpu.memref_slice %arg3[%mul3A_2] : memref<16384xi32, #tpu.memory_space<hbm>> -> memref<512xi32, #tpu.memory_space<hbm>>
      tpu.enqueue_dma source(%dma_start3A_8 : memref<512xi32, #tpu.memory_space<hbm>>) target(%arg5 : memref<512xi32, #tpu.memory_space<vmem>>) target_semaphore(%run_scoped3A : memref<!tpu.dma_semaphore, #tpu.memory_space<semaphore_mem>>)
      %dma_wait3A_9 = tpu.memref_slice %arg3[%mul3A_2] : memref<16384xi32, #tpu.memory_space<hbm>> -> memref<512xi32, #tpu.memory_space<hbm>>
      %dma_wait3A_10 = tpu.memref_slice %arg3[%mul3A_2] : memref<16384xi32, #tpu.memory_space<hbm>> -> memref<512xi32, #tpu.memory_space<hbm>>
      tpu.wait_dma2 semaphore(%run_scoped3A : memref<!tpu.dma_semaphore, #tpu.memory_space<semaphore_mem>>) src(%dma_wait3A_10 : memref<512xi32, #tpu.memory_space<hbm>>) dst(%arg5 : memref<512xi32, #tpu.memory_space<vmem>>)
      tpu.yield
    }) : () -> ()
    %dma_start3A = arith.constant 0 : i32
    %dma_start3A_3 = arith.constant 0 : i32
    %dma_start3A_4 = tpu.memref_slice %arg2[%dma_start3A, %dma_start3A_3] : memref<8192x32xf32, #tpu.memory_space<hbm>> -> memref<8192x32xf32, #tpu.memory_space<hbm>>
    tpu.enqueue_indirect_dma source(%dma_start3A_4 : memref<8192x32xf32, #tpu.memory_space<hbm>>) target(%arg6 : memref<512x32xf32, #tpu.memory_space<vmem>>) offsets(%arg5 : memref<512xi32, #tpu.memory_space<vmem>>) semaphore(%arg7 : memref<!tpu.dma_semaphore, #tpu.memory_space<semaphore_mem>>)
    %dma_wait3A = arith.constant 0 : i32
    %dma_wait3A_5 = arith.constant 0 : i32
    %dma_wait3A_6 = tpu.memref_slice %arg2[%dma_wait3A, %dma_wait3A_5] : memref<8192x32xf32, #tpu.memory_space<hbm>> -> memref<8192x32xf32, #tpu.memory_space<hbm>>
    tpu.wait_indirect_dma semaphore(%arg7 : memref<!tpu.dma_semaphore, #tpu.memory_space<semaphore_mem>>) src(%dma_wait3A_6 : memref<8192x32xf32, #tpu.memory_space<hbm>>) dst(%arg6 : memref<512x32xf32, #tpu.memory_space<vmem>>)
    "tpu.region"() ({
      %run_scoped3A = tpu.sem_alloc : memref<!tpu.dma_semaphore, #tpu.memory_space<semaphore_mem>>
      %dma_start3A_7 = arith.constant 0 : i32
      %dma_start3A_8 = tpu.memref_slice %arg4[%mul3A_2, %dma_start3A_7] : memref<16384x32xf32, #tpu.memory_space<hbm>> -> memref<512x32xf32, #tpu.memory_space<hbm>>
      %dma_start3A_9 = arith.constant 0 : i32
      %dma_start3A_10 = tpu.memref_slice %arg4[%mul3A_2, %dma_start3A_9] : memref<16384x32xf32, #tpu.memory_space<hbm>> -> memref<512x32xf32, #tpu.memory_space<hbm>>
      tpu.enqueue_dma source(%arg6 : memref<512x32xf32, #tpu.memory_space<vmem>>) target(%dma_start3A_10 : memref<512x32xf32, #tpu.memory_space<hbm>>) target_semaphore(%run_scoped3A : memref<!tpu.dma_semaphore, #tpu.memory_space<semaphore_mem>>)
      %dma_wait3A_11 = arith.constant 0 : i32
      %dma_wait3A_12 = tpu.memref_slice %arg4[%mul3A_2, %dma_wait3A_11] : memref<16384x32xf32, #tpu.memory_space<hbm>> -> memref<512x32xf32, #tpu.memory_space<hbm>>
      %dma_wait3A_13 = arith.constant 0 : i32
      %dma_wait3A_14 = tpu.memref_slice %arg4[%mul3A_2, %dma_wait3A_13] : memref<16384x32xf32, #tpu.memory_space<hbm>> -> memref<512x32xf32, #tpu.memory_space<hbm>>
      tpu.wait_dma2 semaphore(%run_scoped3A : memref<!tpu.dma_semaphore, #tpu.memory_space<semaphore_mem>>) src(%arg6 : memref<512x32xf32, #tpu.memory_space<vmem>>) dst(%dma_wait3A_14 : memref<512x32xf32, #tpu.memory_space<hbm>>)
      tpu.yield
    }) : () -> ()
    return
  }
}

module attributes {stable_mosaic.version = 14 : i64} {
  func.func @_dist_argmin_body(%arg0: i32, %arg1: memref<128x32xf32, #tpu.memory_space<vmem>>, %arg2: memref<32x8192xbf16, #tpu.memory_space<vmem>>, %arg3: memref<1x8192xf32, #tpu.memory_space<vmem>>, %arg4: memref<1x1x128xi32, #tpu.memory_space<vmem>>, %arg5: memref<1x1xf32, #tpu.memory_space<vmem>>, %arg6: memref<2x128x128xf32, #tpu.memory_space<vmem>>, %arg7: memref<2x128x128xi32, #tpu.memory_space<vmem>>, %arg8: memref<128x1xf32, #tpu.memory_space<vmem>>) attributes {dimension_semantics = [#tpu.dimension_semantics<arbitrary>], iteration_bounds = array<i64: 129>, scalar_prefetch = 0 : i64, scratch_operands = 3 : i64, tpu.core_type = #tpu.core_type<tc>, window_params = [{transform_indices = @transform_0, window_bounds = array<i64: 128, 32>}, {pipeline_mode = #tpu.pipeline_mode<synchronous>, transform_indices = @transform_1, window_bounds = array<i64: 32, 8192>}, {pipeline_mode = #tpu.pipeline_mode<synchronous>, transform_indices = @transform_2, window_bounds = array<i64: 1, 8192>}, {transform_indices = @transform_3, window_bounds = array<i64: 1, 1, 128>}, {pipeline_mode = #tpu.pipeline_mode<synchronous>, transform_indices = @transform_4, window_bounds = array<i64: 1, 1>}]} {
    %jit3A = arith.constant 2 : i32
    %eq3A = arith.constant 0 : i32
    %eq3A_0 = arith.cmpi eq, %jit3A, %eq3A : i32
    %jit3A_1 = arith.constant 1 : i32
    %select_n3A = arith.select %eq3A_0, %jit3A_1, %jit3A : i32
    %rem3A = arith.remsi %arg0, %select_n3A : i32
    %ne3A = arith.constant 0 : i32
    %ne3A_2 = arith.cmpi ne, %rem3A, %ne3A : i32
    %lt3A = arith.constant 0 : i32
    %lt3A_3 = arith.cmpi slt, %rem3A, %lt3A : i32
    %lt3A_4 = arith.constant 0 : i32
    %lt3A_5 = arith.cmpi slt, %select_n3A, %lt3A_4 : i32
    %ne3A_6 = arith.xori %lt3A_3, %lt3A_5 : i1
    %and3A = arith.andi %ne3A_6, %ne3A_2 : i1
    %add3A = arith.addi %rem3A, %select_n3A : i32
    %select_n3A_7 = arith.select %and3A, %add3A, %rem3A : i32
    %sub3A = arith.constant 1 : i32
    %sub3A_8 = arith.subi %sub3A, %select_n3A_7 : i32
    %get3A = arith.index_cast %sub3A_8 : i32 to index
    %get3A_9 = arith.constant 0 : index
    %get3A_10 = arith.constant 0 : index
    %get3A_11 = vector.load %arg6[%get3A, %get3A_9, %get3A_10] : memref<2x128x128xf32, #tpu.memory_space<vmem>>, vector<1x128x128xf32>
    %get3A_12 = vector.shape_cast %get3A_11 : vector<1x128x128xf32> to vector<128x128xf32>
    %sub3A_13 = arith.constant 1 : i32
    %sub3A_14 = arith.subi %sub3A_13, %select_n3A_7 : i32
    %get3A_15 = arith.index_cast %sub3A_14 : i32 to index
    %get3A_16 = arith.constant 0 : index
    %get3A_17 = arith.constant 0 : index
    %get3A_18 = vector.load %arg7[%get3A_15, %get3A_16, %get3A_17] : memref<2x128x128xi32, #tpu.memory_space<vmem>>, vector<1x128x128xi32>
    %get3A_19 = vector.shape_cast %get3A_18 : vector<1x128x128xi32> to vector<128x128xi32>
    %reduce_min3A = arith.constant dense<0x7F800000> : vector<128xf32>
    %reduce_min3A_20 = vector.multi_reduction <minimumf>, %get3A_12, %reduce_min3A [1] : vector<128x128xf32> to vector<128xf32>
    %iota3A = tpu.iota {dimensions = array<i32: 1>} : vector<128x128xi32>
    %mul3A = arith.constant 128 : i32
    %mul3A_21 = vector.broadcast %mul3A : i32 to vector<128x128xi32>
    %mul3A_22 = arith.muli %get3A_19, %mul3A_21 : vector<128x128xi32>
    %add3A_23 = arith.addi %mul3A_22, %iota3A : vector<128x128xi32>
    %broadcast_in_dim3A = vector.shape_cast %reduce_min3A_20 : vector<128xf32> to vector<128x1xf32>
    %eq3A_24 = vector.broadcast %broadcast_in_dim3A : vector<128x1xf32> to vector<128x128xf32>
    %eq3A_25 = arith.cmpf oeq, %get3A_12, %eq3A_24 : vector<128x128xf32>
    %jit3A_26 = arith.constant 1073741824 : i32
    %broadcast_in_dim3A_27 = vector.broadcast %jit3A_26 : i32 to vector<128x128xi32>
    %select_n3A_28 = arith.select %eq3A_25, %add3A_23, %broadcast_in_dim3A_27 : vector<128x128xi1>, vector<128x128xi32>
    %reduce_min3A_29 = arith.constant dense<2147483647> : vector<128xi32>
    %reduce_min3A_30 = vector.multi_reduction <minsi>, %select_n3A_28, %reduce_min3A_29 [1] : vector<128x128xi32> to vector<128xi32>
    %swap3A = arith.constant 0 : index
    %swap3A_31 = arith.constant 0 : index
    %swap3A_32 = arith.constant 0 : index
    %swap3A_33 = vector.load %arg4[%swap3A, %swap3A_31, %swap3A_32] : memref<1x1x128xi32, #tpu.memory_space<vmem>>, vector<1x1x128xi32>
    %swap3A_34 = vector.shape_cast %swap3A_33 : vector<1x1x128xi32> to vector<128xi32>
    %swap3A_35 = vector.shape_cast %reduce_min3A_30 : vector<128xi32> to vector<1x1x128xi32>
    tpu.vector_store %arg4[%swap3A, %swap3A_31, %swap3A_32], %swap3A_35 {strides = array<i32>} : memref<1x1x128xi32, #tpu.memory_space<vmem>>, vector<1x1x128xi32>,
    %eq3A_36 = arith.constant 0 : i32
    %eq3A_37 = arith.cmpi eq, %arg0, %eq3A_36 : i32
    %get3A_38 = arith.constant 0 : index
    %get3A_39 = arith.constant 0 : index
    %get3A_40 = vector.load %arg8[%get3A_38, %get3A_39] : memref<128x1xf32, #tpu.memory_space<vmem>>, vector<128x1xf32>
    %jit3A_41 = arith.constant 0.000000e+00 : f32
    %broadcast_in_dim3A_42 = vector.broadcast %jit3A_41 : f32 to vector<128x1xf32>
    %select_n3A_43 = arith.select %eq3A_37, %broadcast_in_dim3A_42, %get3A_40 : vector<128x1xf32>
    %gt3A = arith.constant 0 : i32
    %gt3A_44 = arith.cmpi sgt, %arg0, %gt3A : i32
    %reshape3A = vector.shape_cast %reduce_min3A_20 : vector<128xf32> to vector<128x1xf32>
    %jit3A_45 = arith.constant 0.000000e+00 : f32
    %broadcast_in_dim3A_46 = vector.broadcast %jit3A_45 : f32 to vector<128x1xf32>
    %select_n3A_47 = arith.select %gt3A_44, %reshape3A, %broadcast_in_dim3A_46 : vector<128x1xf32>
    %add3A_48 = arith.addf %select_n3A_43, %select_n3A_47 : vector<128x1xf32>
    %swap3A_49 = arith.constant 0 : index
    %swap3A_50 = arith.constant 0 : index
    %swap3A_51 = vector.load %arg8[%swap3A_49, %swap3A_50] : memref<128x1xf32, #tpu.memory_space<vmem>>, vector<128x1xf32>
    tpu.vector_store %arg8[%swap3A_49, %swap3A_50], %add3A_48 {strides = array<i32>} : memref<128x1xf32, #tpu.memory_space<vmem>>, vector<128x1xf32>,
    %get3A_52 = arith.constant 0 : index
    %get3A_53 = arith.constant 0 : index
    %get3A_54 = vector.load %arg1[%get3A_52, %get3A_53] : memref<128x32xf32, #tpu.memory_space<vmem>>, vector<128x32xf32>
    %mul3A_55 = arith.mulf %get3A_54, %get3A_54 : vector<128x32xf32>
    %reduce_sum3A = arith.constant dense<0.000000e+00> : vector<128xf32>
    %reduce_sum3A_56 = vector.multi_reduction <add>, %mul3A_55, %reduce_sum3A [1] : vector<128x32xf32> to vector<128xf32>
    %broadcast_in_dim3A_57 = vector.shape_cast %reduce_sum3A_56 : vector<128xf32> to vector<128x1xf32>
    %convert_element_type3A = arith.truncf %get3A_54 : vector<128x32xf32> to vector<128x32xbf16>
    %get3A_58 = arith.constant 0 : index
    %get3A_59 = arith.constant 0 : index
    %get3A_60 = vector.load %arg2[%get3A_58, %get3A_59] : memref<32x8192xbf16, #tpu.memory_space<vmem>>, vector<32x8192xbf16>
    %dot_general3A = arith.constant dense<0.000000e+00> : vector<128x8192xf32>
    %dot_general3A_61 = tpu.matmul %convert_element_type3A, %get3A_60, %dot_general3A {dimension_numbers = #tpu.dot_dimension_numbers<[1], [0], [0], [1], [0, 0, 1, 1], [], []>, transpose_lhs_hint = false} : vector<128x32xbf16>, vector<32x8192xbf16>, vector<128x8192xf32> -> vector<128x8192xf32>
    %broadcast_in_dim3A_62 = arith.constant 0x7F800000 : f32
    %broadcast_in_dim3A_63 = vector.broadcast %broadcast_in_dim3A_62 : f32 to vector<128x128xf32>
    %broadcast_in_dim3A_64 = arith.constant 0 : i32
    %broadcast_in_dim3A_65 = vector.broadcast %broadcast_in_dim3A_64 : i32 to vector<128x128xi32>
    %slice3A = vector.extract_strided_slice %dot_general3A_61 {offsets = [0, 0], sizes = [128, 128], strides = [1, 1]} : vector<128x8192xf32> to vector<128x128xf32>
    %sub3A_66 = vector.broadcast %broadcast_in_dim3A_57 : vector<128x1xf32> to vector<128x128xf32>
    %sub3A_67 = arith.subf %sub3A_66, %slice3A : vector<128x128xf32>
    %get3A_68 = arith.constant 0 : index
    %get3A_69 = arith.constant 0 : index
    %get3A_70 = vector.load %arg3[%get3A_68, %get3A_69] : memref<1x8192xf32, #tpu.memory_space<vmem>>, vector<1x128xf32>
    %add3A_71 = vector.broadcast %get3A_70 : vector<1x128xf32> to vector<128x128xf32>
    %add3A_72 = arith.addf %sub3A_67, %add3A_71 : vector<128x128xf32>
    %lt3A_73 = arith.cmpf olt, %add3A_72, %broadcast_in_dim3A_63 : vector<128x128xf32>
    %jit3A_74 = arith.constant 0 : i32
    %broadcast_in_dim3A_75 = vector.broadcast %jit3A_74 : i32 to vector<128x128xi32>
    %select_n3A_76 = arith.select %lt3A_73, %broadcast_in_dim3A_75, %broadcast_in_dim3A_65 : vector<128x128xi1>, vector<128x128xi32>
    %min3A = arith.minimumf %broadcast_in_dim3A_63, %add3A_72 : vector<128x128xf32>
    %slice3A_77 = vector.extract_strided_slice %dot_general3A_61 {offsets = [0, 128], sizes = [128, 128], strides = [1, 1]} : vector<128x8192xf32> to vector<128x128xf32>
    %sub3A_78 = vector.broadcast %broadcast_in_dim3A_57 : vector<128x1xf32> to vector<128x128xf32>
    %sub3A_79 = arith.subf %sub3A_78, %slice3A_77 : vector<128x128xf32>
    %get3A_80 = arith.constant 0 : index
    %get3A_81 = arith.constant 128 : index
    %get3A_82 = vector.load %arg3[%get3A_80, %get3A_81] : memref<1x8192xf32, #tpu.memory_space<vmem>>, vector<1x128xf32>
    %add3A_83 = vector.broadcast %get3A_82 : vector<1x128xf32> to vector<128x128xf32>
    %add3A_84 = arith.addf %sub3A_79, %add3A_83 : vector<128x128xf32>
    %lt3A_85 = arith.cmpf olt, %add3A_84, %min3A : vector<128x128xf32>
    %jit3A_86 = arith.constant 1 : i32
    %broadcast_in_dim3A_87 = vector.broadcast %jit3A_86 : i32 to vector<128x128xi32>
    %select_n3A_88 = arith.select %lt3A_85, %broadcast_in_dim3A_87, %select_n3A_76 : vector<128x128xi1>, vector<128x128xi32>
    %min3A_89 = arith.minimumf %min3A, %add3A_84 : vector<128x128xf32>
    %slice3A_90 = vector.extract_strided_slice %dot_general3A_61 {offsets = [0, 256], sizes = [128, 128], strides = [1, 1]} : vector<128x8192xf32> to vector<128x128xf32>
    %sub3A_91 = vector.broadcast %broadcast_in_dim3A_57 : vector<128x1xf32> to vector<128x128xf32>
    %sub3A_92 = arith.subf %sub3A_91, %slice3A_90 : vector<128x128xf32>
    %get3A_93 = arith.constant 0 : index
    %get3A_94 = arith.constant 256 : index
    %get3A_95 = vector.load %arg3[%get3A_93, %get3A_94] : memref<1x8192xf32, #tpu.memory_space<vmem>>, vector<1x128xf32>
    %add3A_96 = vector.broadcast %get3A_95 : vector<1x128xf32> to vector<128x128xf32>
    %add3A_97 = arith.addf %sub3A_92, %add3A_96 : vector<128x128xf32>
    %lt3A_98 = arith.cmpf olt, %add3A_97, %min3A_89 : vector<128x128xf32>
    %jit3A_99 = arith.constant 2 : i32
    %broadcast_in_dim3A_100 = vector.broadcast %jit3A_99 : i32 to vector<128x128xi32>
    %select_n3A_101 = arith.select %lt3A_98, %broadcast_in_dim3A_100, %select_n3A_88 : vector<128x128xi1>, vector<128x128xi32>
    %min3A_102 = arith.minimumf %min3A_89, %add3A_97 : vector<128x128xf32>
    %slice3A_103 = vector.extract_strided_slice %dot_general3A_61 {offsets = [0, 384], sizes = [128, 128], strides = [1, 1]} : vector<128x8192xf32> to vector<128x128xf32>
    %sub3A_104 = vector.broadcast %broadcast_in_dim3A_57 : vector<128x1xf32> to vector<128x128xf32>
    %sub3A_105 = arith.subf %sub3A_104, %slice3A_103 : vector<128x128xf32>
    %get3A_106 = arith.constant 0 : index
    %get3A_107 = arith.constant 384 : index
    %get3A_108 = vector.load %arg3[%get3A_106, %get3A_107] : memref<1x8192xf32, #tpu.memory_space<vmem>>, vector<1x128xf32>
    %add3A_109 = vector.broadcast %get3A_108 : vector<1x128xf32> to vector<128x128xf32>
    %add3A_110 = arith.addf %sub3A_105, %add3A_109 : vector<128x128xf32>
    %lt3A_111 = arith.cmpf olt, %add3A_110, %min3A_102 : vector<128x128xf32>
    %jit3A_112 = arith.constant 3 : i32
    %broadcast_in_dim3A_113 = vector.broadcast %jit3A_112 : i32 to vector<128x128xi32>
    %select_n3A_114 = arith.select %lt3A_111, %broadcast_in_dim3A_113, %select_n3A_101 : vector<128x128xi1>, vector<128x128xi32>
    %min3A_115 = arith.minimumf %min3A_102, %add3A_110 : vector<128x128xf32>
    %slice3A_116 = vector.extract_strided_slice %dot_general3A_61 {offsets = [0, 512], sizes = [128, 128], strides = [1, 1]} : vector<128x8192xf32> to vector<128x128xf32>
    %sub3A_117 = vector.broadcast %broadcast_in_dim3A_57 : vector<128x1xf32> to vector<128x128xf32>
    %sub3A_118 = arith.subf %sub3A_117, %slice3A_116 : vector<128x128xf32>
    %get3A_119 = arith.constant 0 : index
    %get3A_120 = arith.constant 512 : index
    %get3A_121 = vector.load %arg3[%get3A_119, %get3A_120] : memref<1x8192xf32, #tpu.memory_space<vmem>>, vector<1x128xf32>
    %add3A_122 = vector.broadcast %get3A_121 : vector<1x128xf32> to vector<128x128xf32>
    %add3A_123 = arith.addf %sub3A_118, %add3A_122 : vector<128x128xf32>
    %lt3A_124 = arith.cmpf olt, %add3A_123, %min3A_115 : vector<128x128xf32>
    %jit3A_125 = arith.constant 4 : i32
    %broadcast_in_dim3A_126 = vector.broadcast %jit3A_125 : i32 to vector<128x128xi32>
    %select_n3A_127 = arith.select %lt3A_124, %broadcast_in_dim3A_126, %select_n3A_114 : vector<128x128xi1>, vector<128x128xi32>
    %min3A_128 = arith.minimumf %min3A_115, %add3A_123 : vector<128x128xf32>
    %slice3A_129 = vector.extract_strided_slice %dot_general3A_61 {offsets = [0, 640], sizes = [128, 128], strides = [1, 1]} : vector<128x8192xf32> to vector<128x128xf32>
    %sub3A_130 = vector.broadcast %broadcast_in_dim3A_57 : vector<128x1xf32> to vector<128x128xf32>
    %sub3A_131 = arith.subf %sub3A_130, %slice3A_129 : vector<128x128xf32>
    %get3A_132 = arith.constant 0 : index
    %get3A_133 = arith.constant 640 : index
    %get3A_134 = vector.load %arg3[%get3A_132, %get3A_133] : memref<1x8192xf32, #tpu.memory_space<vmem>>, vector<1x128xf32>
    %add3A_135 = vector.broadcast %get3A_134 : vector<1x128xf32> to vector<128x128xf32>
    %add3A_136 = arith.addf %sub3A_131, %add3A_135 : vector<128x128xf32>
    %lt3A_137 = arith.cmpf olt, %add3A_136, %min3A_128 : vector<128x128xf32>
    %jit3A_138 = arith.constant 5 : i32
    %broadcast_in_dim3A_139 = vector.broadcast %jit3A_138 : i32 to vector<128x128xi32>
    %select_n3A_140 = arith.select %lt3A_137, %broadcast_in_dim3A_139, %select_n3A_127 : vector<128x128xi1>, vector<128x128xi32>
    %min3A_141 = arith.minimumf %min3A_128, %add3A_136 : vector<128x128xf32>
    %slice3A_142 = vector.extract_strided_slice %dot_general3A_61 {offsets = [0, 768], sizes = [128, 128], strides = [1, 1]} : vector<128x8192xf32> to vector<128x128xf32>
    %sub3A_143 = vector.broadcast %broadcast_in_dim3A_57 : vector<128x1xf32> to vector<128x128xf32>
    %sub3A_144 = arith.subf %sub3A_143, %slice3A_142 : vector<128x128xf32>
    %get3A_145 = arith.constant 0 : index
    %get3A_146 = arith.constant 768 : index
    %get3A_147 = vector.load %arg3[%get3A_145, %get3A_146] : memref<1x8192xf32, #tpu.memory_space<vmem>>, vector<1x128xf32>
    %add3A_148 = vector.broadcast %get3A_147 : vector<1x128xf32> to vector<128x128xf32>
    %add3A_149 = arith.addf %sub3A_144, %add3A_148 : vector<128x128xf32>
    %lt3A_150 = arith.cmpf olt, %add3A_149, %min3A_141 : vector<128x128xf32>
    %jit3A_151 = arith.constant 6 : i32
    %broadcast_in_dim3A_152 = vector.broadcast %jit3A_151 : i32 to vector<128x128xi32>
    %select_n3A_153 = arith.select %lt3A_150, %broadcast_in_dim3A_152, %select_n3A_140 : vector<128x128xi1>, vector<128x128xi32>
    %min3A_154 = arith.minimumf %min3A_141, %add3A_149 : vector<128x128xf32>
    %slice3A_155 = vector.extract_strided_slice %dot_general3A_61 {offsets = [0, 896], sizes = [128, 128], strides = [1, 1]} : vector<128x8192xf32> to vector<128x128xf32>
    %sub3A_156 = vector.broadcast %broadcast_in_dim3A_57 : vector<128x1xf32> to vector<128x128xf32>
    %sub3A_157 = arith.subf %sub3A_156, %slice3A_155 : vector<128x128xf32>
    %get3A_158 = arith.constant 0 : index
    %get3A_159 = arith.constant 896 : index
    %get3A_160 = vector.load %arg3[%get3A_158, %get3A_159] : memref<1x8192xf32, #tpu.memory_space<vmem>>, vector<1x128xf32>
    %add3A_161 = vector.broadcast %get3A_160 : vector<1x128xf32> to vector<128x128xf32>
    %add3A_162 = arith.addf %sub3A_157, %add3A_161 : vector<128x128xf32>
    %lt3A_163 = arith.cmpf olt, %add3A_162, %min3A_154 : vector<128x128xf32>
    %jit3A_164 = arith.constant 7 : i32
    %broadcast_in_dim3A_165 = vector.broadcast %jit3A_164 : i32 to vector<128x128xi32>
    %select_n3A_166 = arith.select %lt3A_163, %broadcast_in_dim3A_165, %select_n3A_153 : vector<128x128xi1>, vector<128x128xi32>
    %min3A_167 = arith.minimumf %min3A_154, %add3A_162 : vector<128x128xf32>
    %slice3A_168 = vector.extract_strided_slice %dot_general3A_61 {offsets = [0, 1024], sizes = [128, 128], strides = [1, 1]} : vector<128x8192xf32> to vector<128x128xf32>
    %sub3A_169 = vector.broadcast %broadcast_in_dim3A_57 : vector<128x1xf32> to vector<128x128xf32>
    %sub3A_170 = arith.subf %sub3A_169, %slice3A_168 : vector<128x128xf32>
    %get3A_171 = arith.constant 0 : index
    %get3A_172 = arith.constant 1024 : index
    %get3A_173 = vector.load %arg3[%get3A_171, %get3A_172] : memref<1x8192xf32, #tpu.memory_space<vmem>>, vector<1x128xf32>
    %add3A_174 = vector.broadcast %get3A_173 : vector<1x128xf32> to vector<128x128xf32>
    %add3A_175 = arith.addf %sub3A_170, %add3A_174 : vector<128x128xf32>
    %lt3A_176 = arith.cmpf olt, %add3A_175, %min3A_167 : vector<128x128xf32>
    %jit3A_177 = arith.constant 8 : i32
    %broadcast_in_dim3A_178 = vector.broadcast %jit3A_177 : i32 to vector<128x128xi32>
    %select_n3A_179 = arith.select %lt3A_176, %broadcast_in_dim3A_178, %select_n3A_166 : vector<128x128xi1>, vector<128x128xi32>
    %min3A_180 = arith.minimumf %min3A_167, %add3A_175 : vector<128x128xf32>
    %slice3A_181 = vector.extract_strided_slice %dot_general3A_61 {offsets = [0, 1152], sizes = [128, 128], strides = [1, 1]} : vector<128x8192xf32> to vector<128x128xf32>
    %sub3A_182 = vector.broadcast %broadcast_in_dim3A_57 : vector<128x1xf32> to vector<128x128xf32>
    %sub3A_183 = arith.subf %sub3A_182, %slice3A_181 : vector<128x128xf32>
    %get3A_184 = arith.constant 0 : index
    %get3A_185 = arith.constant 1152 : index
    %get3A_186 = vector.load %arg3[%get3A_184, %get3A_185] : memref<1x8192xf32, #tpu.memory_space<vmem>>, vector<1x128xf32>
    %add3A_187 = vector.broadcast %get3A_186 : vector<1x128xf32> to vector<128x128xf32>
    %add3A_188 = arith.addf %sub3A_183, %add3A_187 : vector<128x128xf32>
    %lt3A_189 = arith.cmpf olt, %add3A_188, %min3A_180 : vector<128x128xf32>
    %jit3A_190 = arith.constant 9 : i32
    %broadcast_in_dim3A_191 = vector.broadcast %jit3A_190 : i32 to vector<128x128xi32>
    %select_n3A_192 = arith.select %lt3A_189, %broadcast_in_dim3A_191, %select_n3A_179 : vector<128x128xi1>, vector<128x128xi32>
    %min3A_193 = arith.minimumf %min3A_180, %add3A_188 : vector<128x128xf32>
    %slice3A_194 = vector.extract_strided_slice %dot_general3A_61 {offsets = [0, 1280], sizes = [128, 128], strides = [1, 1]} : vector<128x8192xf32> to vector<128x128xf32>
    %sub3A_195 = vector.broadcast %broadcast_in_dim3A_57 : vector<128x1xf32> to vector<128x128xf32>
    %sub3A_196 = arith.subf %sub3A_195, %slice3A_194 : vector<128x128xf32>
    %get3A_197 = arith.constant 0 : index
    %get3A_198 = arith.constant 1280 : index
    %get3A_199 = vector.load %arg3[%get3A_197, %get3A_198] : memref<1x8192xf32, #tpu.memory_space<vmem>>, vector<1x128xf32>
    %add3A_200 = vector.broadcast %get3A_199 : vector<1x128xf32> to vector<128x128xf32>
    %add3A_201 = arith.addf %sub3A_196, %add3A_200 : vector<128x128xf32>
    %lt3A_202 = arith.cmpf olt, %add3A_201, %min3A_193 : vector<128x128xf32>
    %jit3A_203 = arith.constant 10 : i32
    %broadcast_in_dim3A_204 = vector.broadcast %jit3A_203 : i32 to vector<128x128xi32>
    %select_n3A_205 = arith.select %lt3A_202, %broadcast_in_dim3A_204, %select_n3A_192 : vector<128x128xi1>, vector<128x128xi32>
    %min3A_206 = arith.minimumf %min3A_193, %add3A_201 : vector<128x128xf32>
    %slice3A_207 = vector.extract_strided_slice %dot_general3A_61 {offsets = [0, 1408], sizes = [128, 128], strides = [1, 1]} : vector<128x8192xf32> to vector<128x128xf32>
    %sub3A_208 = vector.broadcast %broadcast_in_dim3A_57 : vector<128x1xf32> to vector<128x128xf32>
    %sub3A_209 = arith.subf %sub3A_208, %slice3A_207 : vector<128x128xf32>
    %get3A_210 = arith.constant 0 : index
    %get3A_211 = arith.constant 1408 : index
    %get3A_212 = vector.load %arg3[%get3A_210, %get3A_211] : memref<1x8192xf32, #tpu.memory_space<vmem>>, vector<1x128xf32>
    %add3A_213 = vector.broadcast %get3A_212 : vector<1x128xf32> to vector<128x128xf32>
    %add3A_214 = arith.addf %sub3A_209, %add3A_213 : vector<128x128xf32>
    %lt3A_215 = arith.cmpf olt, %add3A_214, %min3A_206 : vector<128x128xf32>
    %jit3A_216 = arith.constant 11 : i32
    %broadcast_in_dim3A_217 = vector.broadcast %jit3A_216 : i32 to vector<128x128xi32>
    %select_n3A_218 = arith.select %lt3A_215, %broadcast_in_dim3A_217, %select_n3A_205 : vector<128x128xi1>, vector<128x128xi32>
    %min3A_219 = arith.minimumf %min3A_206, %add3A_214 : vector<128x128xf32>
    %slice3A_220 = vector.extract_strided_slice %dot_general3A_61 {offsets = [0, 1536], sizes = [128, 128], strides = [1, 1]} : vector<128x8192xf32> to vector<128x128xf32>
    %sub3A_221 = vector.broadcast %broadcast_in_dim3A_57 : vector<128x1xf32> to vector<128x128xf32>
    %sub3A_222 = arith.subf %sub3A_221, %slice3A_220 : vector<128x128xf32>
    %get3A_223 = arith.constant 0 : index
    %get3A_224 = arith.constant 1536 : index
    %get3A_225 = vector.load %arg3[%get3A_223, %get3A_224] : memref<1x8192xf32, #tpu.memory_space<vmem>>, vector<1x128xf32>
    %add3A_226 = vector.broadcast %get3A_225 : vector<1x128xf32> to vector<128x128xf32>
    %add3A_227 = arith.addf %sub3A_222, %add3A_226 : vector<128x128xf32>
    %lt3A_228 = arith.cmpf olt, %add3A_227, %min3A_219 : vector<128x128xf32>
    %jit3A_229 = arith.constant 12 : i32
    %broadcast_in_dim3A_230 = vector.broadcast %jit3A_229 : i32 to vector<128x128xi32>
    %select_n3A_231 = arith.select %lt3A_228, %broadcast_in_dim3A_230, %select_n3A_218 : vector<128x128xi1>, vector<128x128xi32>
    %min3A_232 = arith.minimumf %min3A_219, %add3A_227 : vector<128x128xf32>
    %slice3A_233 = vector.extract_strided_slice %dot_general3A_61 {offsets = [0, 1664], sizes = [128, 128], strides = [1, 1]} : vector<128x8192xf32> to vector<128x128xf32>
    %sub3A_234 = vector.broadcast %broadcast_in_dim3A_57 : vector<128x1xf32> to vector<128x128xf32>
    %sub3A_235 = arith.subf %sub3A_234, %slice3A_233 : vector<128x128xf32>
    %get3A_236 = arith.constant 0 : index
    %get3A_237 = arith.constant 1664 : index
    %get3A_238 = vector.load %arg3[%get3A_236, %get3A_237] : memref<1x8192xf32, #tpu.memory_space<vmem>>, vector<1x128xf32>
    %add3A_239 = vector.broadcast %get3A_238 : vector<1x128xf32> to vector<128x128xf32>
    %add3A_240 = arith.addf %sub3A_235, %add3A_239 : vector<128x128xf32>
    %lt3A_241 = arith.cmpf olt, %add3A_240, %min3A_232 : vector<128x128xf32>
    %jit3A_242 = arith.constant 13 : i32
    %broadcast_in_dim3A_243 = vector.broadcast %jit3A_242 : i32 to vector<128x128xi32>
    %select_n3A_244 = arith.select %lt3A_241, %broadcast_in_dim3A_243, %select_n3A_231 : vector<128x128xi1>, vector<128x128xi32>
    %min3A_245 = arith.minimumf %min3A_232, %add3A_240 : vector<128x128xf32>
    %slice3A_246 = vector.extract_strided_slice %dot_general3A_61 {offsets = [0, 1792], sizes = [128, 128], strides = [1, 1]} : vector<128x8192xf32> to vector<128x128xf32>
    %sub3A_247 = vector.broadcast %broadcast_in_dim3A_57 : vector<128x1xf32> to vector<128x128xf32>
    %sub3A_248 = arith.subf %sub3A_247, %slice3A_246 : vector<128x128xf32>
    %get3A_249 = arith.constant 0 : index
    %get3A_250 = arith.constant 1792 : index
    %get3A_251 = vector.load %arg3[%get3A_249, %get3A_250] : memref<1x8192xf32, #tpu.memory_space<vmem>>, vector<1x128xf32>
    %add3A_252 = vector.broadcast %get3A_251 : vector<1x128xf32> to vector<128x128xf32>
    %add3A_253 = arith.addf %sub3A_248, %add3A_252 : vector<128x128xf32>
    %lt3A_254 = arith.cmpf olt, %add3A_253, %min3A_245 : vector<128x128xf32>
    %jit3A_255 = arith.constant 14 : i32
    %broadcast_in_dim3A_256 = vector.broadcast %jit3A_255 : i32 to vector<128x128xi32>
    %select_n3A_257 = arith.select %lt3A_254, %broadcast_in_dim3A_256, %select_n3A_244 : vector<128x128xi1>, vector<128x128xi32>
    %min3A_258 = arith.minimumf %min3A_245, %add3A_253 : vector<128x128xf32>
    %slice3A_259 = vector.extract_strided_slice %dot_general3A_61 {offsets = [0, 1920], sizes = [128, 128], strides = [1, 1]} : vector<128x8192xf32> to vector<128x128xf32>
    %sub3A_260 = vector.broadcast %broadcast_in_dim3A_57 : vector<128x1xf32> to vector<128x128xf32>
    %sub3A_261 = arith.subf %sub3A_260, %slice3A_259 : vector<128x128xf32>
    %get3A_262 = arith.constant 0 : index
    %get3A_263 = arith.constant 1920 : index
    %get3A_264 = vector.load %arg3[%get3A_262, %get3A_263] : memref<1x8192xf32, #tpu.memory_space<vmem>>, vector<1x128xf32>
    %add3A_265 = vector.broadcast %get3A_264 : vector<1x128xf32> to vector<128x128xf32>
    %add3A_266 = arith.addf %sub3A_261, %add3A_265 : vector<128x128xf32>
    %lt3A_267 = arith.cmpf olt, %add3A_266, %min3A_258 : vector<128x128xf32>
    %jit3A_268 = arith.constant 15 : i32
    %broadcast_in_dim3A_269 = vector.broadcast %jit3A_268 : i32 to vector<128x128xi32>
    %select_n3A_270 = arith.select %lt3A_267, %broadcast_in_dim3A_269, %select_n3A_257 : vector<128x128xi1>, vector<128x128xi32>
    %min3A_271 = arith.minimumf %min3A_258, %add3A_266 : vector<128x128xf32>
    %slice3A_272 = vector.extract_strided_slice %dot_general3A_61 {offsets = [0, 2048], sizes = [128, 128], strides = [1, 1]} : vector<128x8192xf32> to vector<128x128xf32>
    %sub3A_273 = vector.broadcast %broadcast_in_dim3A_57 : vector<128x1xf32> to vector<128x128xf32>
    %sub3A_274 = arith.subf %sub3A_273, %slice3A_272 : vector<128x128xf32>
    %get3A_275 = arith.constant 0 : index
    %get3A_276 = arith.constant 2048 : index
    %get3A_277 = vector.load %arg3[%get3A_275, %get3A_276] : memref<1x8192xf32, #tpu.memory_space<vmem>>, vector<1x128xf32>
    %add3A_278 = vector.broadcast %get3A_277 : vector<1x128xf32> to vector<128x128xf32>
    %add3A_279 = arith.addf %sub3A_274, %add3A_278 : vector<128x128xf32>
    %lt3A_280 = arith.cmpf olt, %add3A_279, %min3A_271 : vector<128x128xf32>
    %jit3A_281 = arith.constant 16 : i32
    %broadcast_in_dim3A_282 = vector.broadcast %jit3A_281 : i32 to vector<128x128xi32>
    %select_n3A_283 = arith.select %lt3A_280, %broadcast_in_dim3A_282, %select_n3A_270 : vector<128x128xi1>, vector<128x128xi32>
    %min3A_284 = arith.minimumf %min3A_271, %add3A_279 : vector<128x128xf32>
    %slice3A_285 = vector.extract_strided_slice %dot_general3A_61 {offsets = [0, 2176], sizes = [128, 128], strides = [1, 1]} : vector<128x8192xf32> to vector<128x128xf32>
    %sub3A_286 = vector.broadcast %broadcast_in_dim3A_57 : vector<128x1xf32> to vector<128x128xf32>
    %sub3A_287 = arith.subf %sub3A_286, %slice3A_285 : vector<128x128xf32>
    %get3A_288 = arith.constant 0 : index
    %get3A_289 = arith.constant 2176 : index
    %get3A_290 = vector.load %arg3[%get3A_288, %get3A_289] : memref<1x8192xf32, #tpu.memory_space<vmem>>, vector<1x128xf32>
    %add3A_291 = vector.broadcast %get3A_290 : vector<1x128xf32> to vector<128x128xf32>
    %add3A_292 = arith.addf %sub3A_287, %add3A_291 : vector<128x128xf32>
    %lt3A_293 = arith.cmpf olt, %add3A_292, %min3A_284 : vector<128x128xf32>
    %jit3A_294 = arith.constant 17 : i32
    %broadcast_in_dim3A_295 = vector.broadcast %jit3A_294 : i32 to vector<128x128xi32>
    %select_n3A_296 = arith.select %lt3A_293, %broadcast_in_dim3A_295, %select_n3A_283 : vector<128x128xi1>, vector<128x128xi32>
    %min3A_297 = arith.minimumf %min3A_284, %add3A_292 : vector<128x128xf32>
    %slice3A_298 = vector.extract_strided_slice %dot_general3A_61 {offsets = [0, 2304], sizes = [128, 128], strides = [1, 1]} : vector<128x8192xf32> to vector<128x128xf32>
    %sub3A_299 = vector.broadcast %broadcast_in_dim3A_57 : vector<128x1xf32> to vector<128x128xf32>
    %sub3A_300 = arith.subf %sub3A_299, %slice3A_298 : vector<128x128xf32>
    %get3A_301 = arith.constant 0 : index
    %get3A_302 = arith.constant 2304 : index
    %get3A_303 = vector.load %arg3[%get3A_301, %get3A_302] : memref<1x8192xf32, #tpu.memory_space<vmem>>, vector<1x128xf32>
    %add3A_304 = vector.broadcast %get3A_303 : vector<1x128xf32> to vector<128x128xf32>
    %add3A_305 = arith.addf %sub3A_300, %add3A_304 : vector<128x128xf32>
    %lt3A_306 = arith.cmpf olt, %add3A_305, %min3A_297 : vector<128x128xf32>
    %jit3A_307 = arith.constant 18 : i32
    %broadcast_in_dim3A_308 = vector.broadcast %jit3A_307 : i32 to vector<128x128xi32>
    %select_n3A_309 = arith.select %lt3A_306, %broadcast_in_dim3A_308, %select_n3A_296 : vector<128x128xi1>, vector<128x128xi32>
    %min3A_310 = arith.minimumf %min3A_297, %add3A_305 : vector<128x128xf32>
    %slice3A_311 = vector.extract_strided_slice %dot_general3A_61 {offsets = [0, 2432], sizes = [128, 128], strides = [1, 1]} : vector<128x8192xf32> to vector<128x128xf32>
    %sub3A_312 = vector.broadcast %broadcast_in_dim3A_57 : vector<128x1xf32> to vector<128x128xf32>
    %sub3A_313 = arith.subf %sub3A_312, %slice3A_311 : vector<128x128xf32>
    %get3A_314 = arith.constant 0 : index
    %get3A_315 = arith.constant 2432 : index
    %get3A_316 = vector.load %arg3[%get3A_314, %get3A_315] : memref<1x8192xf32, #tpu.memory_space<vmem>>, vector<1x128xf32>
    %add3A_317 = vector.broadcast %get3A_316 : vector<1x128xf32> to vector<128x128xf32>
    %add3A_318 = arith.addf %sub3A_313, %add3A_317 : vector<128x128xf32>
    %lt3A_319 = arith.cmpf olt, %add3A_318, %min3A_310 : vector<128x128xf32>
    %jit3A_320 = arith.constant 19 : i32
    %broadcast_in_dim3A_321 = vector.broadcast %jit3A_320 : i32 to vector<128x128xi32>
    %select_n3A_322 = arith.select %lt3A_319, %broadcast_in_dim3A_321, %select_n3A_309 : vector<128x128xi1>, vector<128x128xi32>
    %min3A_323 = arith.minimumf %min3A_310, %add3A_318 : vector<128x128xf32>
    %slice3A_324 = vector.extract_strided_slice %dot_general3A_61 {offsets = [0, 2560], sizes = [128, 128], strides = [1, 1]} : vector<128x8192xf32> to vector<128x128xf32>
    %sub3A_325 = vector.broadcast %broadcast_in_dim3A_57 : vector<128x1xf32> to vector<128x128xf32>
    %sub3A_326 = arith.subf %sub3A_325, %slice3A_324 : vector<128x128xf32>
    %get3A_327 = arith.constant 0 : index
    %get3A_328 = arith.constant 2560 : index
    %get3A_329 = vector.load %arg3[%get3A_327, %get3A_328] : memref<1x8192xf32, #tpu.memory_space<vmem>>, vector<1x128xf32>
    %add3A_330 = vector.broadcast %get3A_329 : vector<1x128xf32> to vector<128x128xf32>
    %add3A_331 = arith.addf %sub3A_326, %add3A_330 : vector<128x128xf32>
    %lt3A_332 = arith.cmpf olt, %add3A_331, %min3A_323 : vector<128x128xf32>
    %jit3A_333 = arith.constant 20 : i32
    %broadcast_in_dim3A_334 = vector.broadcast %jit3A_333 : i32 to vector<128x128xi32>
    %select_n3A_335 = arith.select %lt3A_332, %broadcast_in_dim3A_334, %select_n3A_322 : vector<128x128xi1>, vector<128x128xi32>
    %min3A_336 = arith.minimumf %min3A_323, %add3A_331 : vector<128x128xf32>
    %slice3A_337 = vector.extract_strided_slice %dot_general3A_61 {offsets = [0, 2688], sizes = [128, 128], strides = [1, 1]} : vector<128x8192xf32> to vector<128x128xf32>
    %sub3A_338 = vector.broadcast %broadcast_in_dim3A_57 : vector<128x1xf32> to vector<128x128xf32>
    %sub3A_339 = arith.subf %sub3A_338, %slice3A_337 : vector<128x128xf32>
    %get3A_340 = arith.constant 0 : index
    %get3A_341 = arith.constant 2688 : index
    %get3A_342 = vector.load %arg3[%get3A_340, %get3A_341] : memref<1x8192xf32, #tpu.memory_space<vmem>>, vector<1x128xf32>
    %add3A_343 = vector.broadcast %get3A_342 : vector<1x128xf32> to vector<128x128xf32>
    %add3A_344 = arith.addf %sub3A_339, %add3A_343 : vector<128x128xf32>
    %lt3A_345 = arith.cmpf olt, %add3A_344, %min3A_336 : vector<128x128xf32>
    %jit3A_346 = arith.constant 21 : i32
    %broadcast_in_dim3A_347 = vector.broadcast %jit3A_346 : i32 to vector<128x128xi32>
    %select_n3A_348 = arith.select %lt3A_345, %broadcast_in_dim3A_347, %select_n3A_335 : vector<128x128xi1>, vector<128x128xi32>
    %min3A_349 = arith.minimumf %min3A_336, %add3A_344 : vector<128x128xf32>
    %slice3A_350 = vector.extract_strided_slice %dot_general3A_61 {offsets = [0, 2816], sizes = [128, 128], strides = [1, 1]} : vector<128x8192xf32> to vector<128x128xf32>
    %sub3A_351 = vector.broadcast %broadcast_in_dim3A_57 : vector<128x1xf32> to vector<128x128xf32>
    %sub3A_352 = arith.subf %sub3A_351, %slice3A_350 : vector<128x128xf32>
    %get3A_353 = arith.constant 0 : index
    %get3A_354 = arith.constant 2816 : index
    %get3A_355 = vector.load %arg3[%get3A_353, %get3A_354] : memref<1x8192xf32, #tpu.memory_space<vmem>>, vector<1x128xf32>
    %add3A_356 = vector.broadcast %get3A_355 : vector<1x128xf32> to vector<128x128xf32>
    %add3A_357 = arith.addf %sub3A_352, %add3A_356 : vector<128x128xf32>
    %lt3A_358 = arith.cmpf olt, %add3A_357, %min3A_349 : vector<128x128xf32>
    %jit3A_359 = arith.constant 22 : i32
    %broadcast_in_dim3A_360 = vector.broadcast %jit3A_359 : i32 to vector<128x128xi32>
    %select_n3A_361 = arith.select %lt3A_358, %broadcast_in_dim3A_360, %select_n3A_348 : vector<128x128xi1>, vector<128x128xi32>
    %min3A_362 = arith.minimumf %min3A_349, %add3A_357 : vector<128x128xf32>
    %slice3A_363 = vector.extract_strided_slice %dot_general3A_61 {offsets = [0, 2944], sizes = [128, 128], strides = [1, 1]} : vector<128x8192xf32> to vector<128x128xf32>
    %sub3A_364 = vector.broadcast %broadcast_in_dim3A_57 : vector<128x1xf32> to vector<128x128xf32>
    %sub3A_365 = arith.subf %sub3A_364, %slice3A_363 : vector<128x128xf32>
    %get3A_366 = arith.constant 0 : index
    %get3A_367 = arith.constant 2944 : index
    %get3A_368 = vector.load %arg3[%get3A_366, %get3A_367] : memref<1x8192xf32, #tpu.memory_space<vmem>>, vector<1x128xf32>
    %add3A_369 = vector.broadcast %get3A_368 : vector<1x128xf32> to vector<128x128xf32>
    %add3A_370 = arith.addf %sub3A_365, %add3A_369 : vector<128x128xf32>
    %lt3A_371 = arith.cmpf olt, %add3A_370, %min3A_362 : vector<128x128xf32>
    %jit3A_372 = arith.constant 23 : i32
    %broadcast_in_dim3A_373 = vector.broadcast %jit3A_372 : i32 to vector<128x128xi32>
    %select_n3A_374 = arith.select %lt3A_371, %broadcast_in_dim3A_373, %select_n3A_361 : vector<128x128xi1>, vector<128x128xi32>
    %min3A_375 = arith.minimumf %min3A_362, %add3A_370 : vector<128x128xf32>
    %slice3A_376 = vector.extract_strided_slice %dot_general3A_61 {offsets = [0, 3072], sizes = [128, 128], strides = [1, 1]} : vector<128x8192xf32> to vector<128x128xf32>
    %sub3A_377 = vector.broadcast %broadcast_in_dim3A_57 : vector<128x1xf32> to vector<128x128xf32>
    %sub3A_378 = arith.subf %sub3A_377, %slice3A_376 : vector<128x128xf32>
    %get3A_379 = arith.constant 0 : index
    %get3A_380 = arith.constant 3072 : index
    %get3A_381 = vector.load %arg3[%get3A_379, %get3A_380] : memref<1x8192xf32, #tpu.memory_space<vmem>>, vector<1x128xf32>
    %add3A_382 = vector.broadcast %get3A_381 : vector<1x128xf32> to vector<128x128xf32>
    %add3A_383 = arith.addf %sub3A_378, %add3A_382 : vector<128x128xf32>
    %lt3A_384 = arith.cmpf olt, %add3A_383, %min3A_375 : vector<128x128xf32>
    %jit3A_385 = arith.constant 24 : i32
    %broadcast_in_dim3A_386 = vector.broadcast %jit3A_385 : i32 to vector<128x128xi32>
    %select_n3A_387 = arith.select %lt3A_384, %broadcast_in_dim3A_386, %select_n3A_374 : vector<128x128xi1>, vector<128x128xi32>
    %min3A_388 = arith.minimumf %min3A_375, %add3A_383 : vector<128x128xf32>
    %slice3A_389 = vector.extract_strided_slice %dot_general3A_61 {offsets = [0, 3200], sizes = [128, 128], strides = [1, 1]} : vector<128x8192xf32> to vector<128x128xf32>
    %sub3A_390 = vector.broadcast %broadcast_in_dim3A_57 : vector<128x1xf32> to vector<128x128xf32>
    %sub3A_391 = arith.subf %sub3A_390, %slice3A_389 : vector<128x128xf32>
    %get3A_392 = arith.constant 0 : index
    %get3A_393 = arith.constant 3200 : index
    %get3A_394 = vector.load %arg3[%get3A_392, %get3A_393] : memref<1x8192xf32, #tpu.memory_space<vmem>>, vector<1x128xf32>
    %add3A_395 = vector.broadcast %get3A_394 : vector<1x128xf32> to vector<128x128xf32>
    %add3A_396 = arith.addf %sub3A_391, %add3A_395 : vector<128x128xf32>
    %lt3A_397 = arith.cmpf olt, %add3A_396, %min3A_388 : vector<128x128xf32>
    %jit3A_398 = arith.constant 25 : i32
    %broadcast_in_dim3A_399 = vector.broadcast %jit3A_398 : i32 to vector<128x128xi32>
    %select_n3A_400 = arith.select %lt3A_397, %broadcast_in_dim3A_399, %select_n3A_387 : vector<128x128xi1>, vector<128x128xi32>
    %min3A_401 = arith.minimumf %min3A_388, %add3A_396 : vector<128x128xf32>
    %slice3A_402 = vector.extract_strided_slice %dot_general3A_61 {offsets = [0, 3328], sizes = [128, 128], strides = [1, 1]} : vector<128x8192xf32> to vector<128x128xf32>
    %sub3A_403 = vector.broadcast %broadcast_in_dim3A_57 : vector<128x1xf32> to vector<128x128xf32>
    %sub3A_404 = arith.subf %sub3A_403, %slice3A_402 : vector<128x128xf32>
    %get3A_405 = arith.constant 0 : index
    %get3A_406 = arith.constant 3328 : index
    %get3A_407 = vector.load %arg3[%get3A_405, %get3A_406] : memref<1x8192xf32, #tpu.memory_space<vmem>>, vector<1x128xf32>
    %add3A_408 = vector.broadcast %get3A_407 : vector<1x128xf32> to vector<128x128xf32>
    %add3A_409 = arith.addf %sub3A_404, %add3A_408 : vector<128x128xf32>
    %lt3A_410 = arith.cmpf olt, %add3A_409, %min3A_401 : vector<128x128xf32>
    %jit3A_411 = arith.constant 26 : i32
    %broadcast_in_dim3A_412 = vector.broadcast %jit3A_411 : i32 to vector<128x128xi32>
    %select_n3A_413 = arith.select %lt3A_410, %broadcast_in_dim3A_412, %select_n3A_400 : vector<128x128xi1>, vector<128x128xi32>
    %min3A_414 = arith.minimumf %min3A_401, %add3A_409 : vector<128x128xf32>
    %slice3A_415 = vector.extract_strided_slice %dot_general3A_61 {offsets = [0, 3456], sizes = [128, 128], strides = [1, 1]} : vector<128x8192xf32> to vector<128x128xf32>
    %sub3A_416 = vector.broadcast %broadcast_in_dim3A_57 : vector<128x1xf32> to vector<128x128xf32>
    %sub3A_417 = arith.subf %sub3A_416, %slice3A_415 : vector<128x128xf32>
    %get3A_418 = arith.constant 0 : index
    %get3A_419 = arith.constant 3456 : index
    %get3A_420 = vector.load %arg3[%get3A_418, %get3A_419] : memref<1x8192xf32, #tpu.memory_space<vmem>>, vector<1x128xf32>
    %add3A_421 = vector.broadcast %get3A_420 : vector<1x128xf32> to vector<128x128xf32>
    %add3A_422 = arith.addf %sub3A_417, %add3A_421 : vector<128x128xf32>
    %lt3A_423 = arith.cmpf olt, %add3A_422, %min3A_414 : vector<128x128xf32>
    %jit3A_424 = arith.constant 27 : i32
    %broadcast_in_dim3A_425 = vector.broadcast %jit3A_424 : i32 to vector<128x128xi32>
    %select_n3A_426 = arith.select %lt3A_423, %broadcast_in_dim3A_425, %select_n3A_413 : vector<128x128xi1>, vector<128x128xi32>
    %min3A_427 = arith.minimumf %min3A_414, %add3A_422 : vector<128x128xf32>
    %slice3A_428 = vector.extract_strided_slice %dot_general3A_61 {offsets = [0, 3584], sizes = [128, 128], strides = [1, 1]} : vector<128x8192xf32> to vector<128x128xf32>
    %sub3A_429 = vector.broadcast %broadcast_in_dim3A_57 : vector<128x1xf32> to vector<128x128xf32>
    %sub3A_430 = arith.subf %sub3A_429, %slice3A_428 : vector<128x128xf32>
    %get3A_431 = arith.constant 0 : index
    %get3A_432 = arith.constant 3584 : index
    %get3A_433 = vector.load %arg3[%get3A_431, %get3A_432] : memref<1x8192xf32, #tpu.memory_space<vmem>>, vector<1x128xf32>
    %add3A_434 = vector.broadcast %get3A_433 : vector<1x128xf32> to vector<128x128xf32>
    %add3A_435 = arith.addf %sub3A_430, %add3A_434 : vector<128x128xf32>
    %lt3A_436 = arith.cmpf olt, %add3A_435, %min3A_427 : vector<128x128xf32>
    %jit3A_437 = arith.constant 28 : i32
    %broadcast_in_dim3A_438 = vector.broadcast %jit3A_437 : i32 to vector<128x128xi32>
    %select_n3A_439 = arith.select %lt3A_436, %broadcast_in_dim3A_438, %select_n3A_426 : vector<128x128xi1>, vector<128x128xi32>
    %min3A_440 = arith.minimumf %min3A_427, %add3A_435 : vector<128x128xf32>
    %slice3A_441 = vector.extract_strided_slice %dot_general3A_61 {offsets = [0, 3712], sizes = [128, 128], strides = [1, 1]} : vector<128x8192xf32> to vector<128x128xf32>
    %sub3A_442 = vector.broadcast %broadcast_in_dim3A_57 : vector<128x1xf32> to vector<128x128xf32>
    %sub3A_443 = arith.subf %sub3A_442, %slice3A_441 : vector<128x128xf32>
    %get3A_444 = arith.constant 0 : index
    %get3A_445 = arith.constant 3712 : index
    %get3A_446 = vector.load %arg3[%get3A_444, %get3A_445] : memref<1x8192xf32, #tpu.memory_space<vmem>>, vector<1x128xf32>
    %add3A_447 = vector.broadcast %get3A_446 : vector<1x128xf32> to vector<128x128xf32>
    %add3A_448 = arith.addf %sub3A_443, %add3A_447 : vector<128x128xf32>
    %lt3A_449 = arith.cmpf olt, %add3A_448, %min3A_440 : vector<128x128xf32>
    %jit3A_450 = arith.constant 29 : i32
    %broadcast_in_dim3A_451 = vector.broadcast %jit3A_450 : i32 to vector<128x128xi32>
    %select_n3A_452 = arith.select %lt3A_449, %broadcast_in_dim3A_451, %select_n3A_439 : vector<128x128xi1>, vector<128x128xi32>
    %min3A_453 = arith.minimumf %min3A_440, %add3A_448 : vector<128x128xf32>
    %slice3A_454 = vector.extract_strided_slice %dot_general3A_61 {offsets = [0, 3840], sizes = [128, 128], strides = [1, 1]} : vector<128x8192xf32> to vector<128x128xf32>
    %sub3A_455 = vector.broadcast %broadcast_in_dim3A_57 : vector<128x1xf32> to vector<128x128xf32>
    %sub3A_456 = arith.subf %sub3A_455, %slice3A_454 : vector<128x128xf32>
    %get3A_457 = arith.constant 0 : index
    %get3A_458 = arith.constant 3840 : index
    %get3A_459 = vector.load %arg3[%get3A_457, %get3A_458] : memref<1x8192xf32, #tpu.memory_space<vmem>>, vector<1x128xf32>
    %add3A_460 = vector.broadcast %get3A_459 : vector<1x128xf32> to vector<128x128xf32>
    %add3A_461 = arith.addf %sub3A_456, %add3A_460 : vector<128x128xf32>
    %lt3A_462 = arith.cmpf olt, %add3A_461, %min3A_453 : vector<128x128xf32>
    %jit3A_463 = arith.constant 30 : i32
    %broadcast_in_dim3A_464 = vector.broadcast %jit3A_463 : i32 to vector<128x128xi32>
    %select_n3A_465 = arith.select %lt3A_462, %broadcast_in_dim3A_464, %select_n3A_452 : vector<128x128xi1>, vector<128x128xi32>
    %min3A_466 = arith.minimumf %min3A_453, %add3A_461 : vector<128x128xf32>
    %slice3A_467 = vector.extract_strided_slice %dot_general3A_61 {offsets = [0, 3968], sizes = [128, 128], strides = [1, 1]} : vector<128x8192xf32> to vector<128x128xf32>
    %sub3A_468 = vector.broadcast %broadcast_in_dim3A_57 : vector<128x1xf32> to vector<128x128xf32>
    %sub3A_469 = arith.subf %sub3A_468, %slice3A_467 : vector<128x128xf32>
    %get3A_470 = arith.constant 0 : index
    %get3A_471 = arith.constant 3968 : index
    %get3A_472 = vector.load %arg3[%get3A_470, %get3A_471] : memref<1x8192xf32, #tpu.memory_space<vmem>>, vector<1x128xf32>
    %add3A_473 = vector.broadcast %get3A_472 : vector<1x128xf32> to vector<128x128xf32>
    %add3A_474 = arith.addf %sub3A_469, %add3A_473 : vector<128x128xf32>
    %lt3A_475 = arith.cmpf olt, %add3A_474, %min3A_466 : vector<128x128xf32>
    %jit3A_476 = arith.constant 31 : i32
    %broadcast_in_dim3A_477 = vector.broadcast %jit3A_476 : i32 to vector<128x128xi32>
    %select_n3A_478 = arith.select %lt3A_475, %broadcast_in_dim3A_477, %select_n3A_465 : vector<128x128xi1>, vector<128x128xi32>
    %min3A_479 = arith.minimumf %min3A_466, %add3A_474 : vector<128x128xf32>
    %slice3A_480 = vector.extract_strided_slice %dot_general3A_61 {offsets = [0, 4096], sizes = [128, 128], strides = [1, 1]} : vector<128x8192xf32> to vector<128x128xf32>
    %sub3A_481 = vector.broadcast %broadcast_in_dim3A_57 : vector<128x1xf32> to vector<128x128xf32>
    %sub3A_482 = arith.subf %sub3A_481, %slice3A_480 : vector<128x128xf32>
    %get3A_483 = arith.constant 0 : index
    %get3A_484 = arith.constant 4096 : index
    %get3A_485 = vector.load %arg3[%get3A_483, %get3A_484] : memref<1x8192xf32, #tpu.memory_space<vmem>>, vector<1x128xf32>
    %add3A_486 = vector.broadcast %get3A_485 : vector<1x128xf32> to vector<128x128xf32>
    %add3A_487 = arith.addf %sub3A_482, %add3A_486 : vector<128x128xf32>
    %lt3A_488 = arith.cmpf olt, %add3A_487, %min3A_479 : vector<128x128xf32>
    %jit3A_489 = arith.constant 32 : i32
    %broadcast_in_dim3A_490 = vector.broadcast %jit3A_489 : i32 to vector<128x128xi32>
    %select_n3A_491 = arith.select %lt3A_488, %broadcast_in_dim3A_490, %select_n3A_478 : vector<128x128xi1>, vector<128x128xi32>
    %min3A_492 = arith.minimumf %min3A_479, %add3A_487 : vector<128x128xf32>
    %slice3A_493 = vector.extract_strided_slice %dot_general3A_61 {offsets = [0, 4224], sizes = [128, 128], strides = [1, 1]} : vector<128x8192xf32> to vector<128x128xf32>
    %sub3A_494 = vector.broadcast %broadcast_in_dim3A_57 : vector<128x1xf32> to vector<128x128xf32>
    %sub3A_495 = arith.subf %sub3A_494, %slice3A_493 : vector<128x128xf32>
    %get3A_496 = arith.constant 0 : index
    %get3A_497 = arith.constant 4224 : index
    %get3A_498 = vector.load %arg3[%get3A_496, %get3A_497] : memref<1x8192xf32, #tpu.memory_space<vmem>>, vector<1x128xf32>
    %add3A_499 = vector.broadcast %get3A_498 : vector<1x128xf32> to vector<128x128xf32>
    %add3A_500 = arith.addf %sub3A_495, %add3A_499 : vector<128x128xf32>
    %lt3A_501 = arith.cmpf olt, %add3A_500, %min3A_492 : vector<128x128xf32>
    %jit3A_502 = arith.constant 33 : i32
    %broadcast_in_dim3A_503 = vector.broadcast %jit3A_502 : i32 to vector<128x128xi32>
    %select_n3A_504 = arith.select %lt3A_501, %broadcast_in_dim3A_503, %select_n3A_491 : vector<128x128xi1>, vector<128x128xi32>
    %min3A_505 = arith.minimumf %min3A_492, %add3A_500 : vector<128x128xf32>
    %slice3A_506 = vector.extract_strided_slice %dot_general3A_61 {offsets = [0, 4352], sizes = [128, 128], strides = [1, 1]} : vector<128x8192xf32> to vector<128x128xf32>
    %sub3A_507 = vector.broadcast %broadcast_in_dim3A_57 : vector<128x1xf32> to vector<128x128xf32>
    %sub3A_508 = arith.subf %sub3A_507, %slice3A_506 : vector<128x128xf32>
    %get3A_509 = arith.constant 0 : index
    %get3A_510 = arith.constant 4352 : index
    %get3A_511 = vector.load %arg3[%get3A_509, %get3A_510] : memref<1x8192xf32, #tpu.memory_space<vmem>>, vector<1x128xf32>
    %add3A_512 = vector.broadcast %get3A_511 : vector<1x128xf32> to vector<128x128xf32>
    %add3A_513 = arith.addf %sub3A_508, %add3A_512 : vector<128x128xf32>
    %lt3A_514 = arith.cmpf olt, %add3A_513, %min3A_505 : vector<128x128xf32>
    %jit3A_515 = arith.constant 34 : i32
    %broadcast_in_dim3A_516 = vector.broadcast %jit3A_515 : i32 to vector<128x128xi32>
    %select_n3A_517 = arith.select %lt3A_514, %broadcast_in_dim3A_516, %select_n3A_504 : vector<128x128xi1>, vector<128x128xi32>
    %min3A_518 = arith.minimumf %min3A_505, %add3A_513 : vector<128x128xf32>
    %slice3A_519 = vector.extract_strided_slice %dot_general3A_61 {offsets = [0, 4480], sizes = [128, 128], strides = [1, 1]} : vector<128x8192xf32> to vector<128x128xf32>
    %sub3A_520 = vector.broadcast %broadcast_in_dim3A_57 : vector<128x1xf32> to vector<128x128xf32>
    %sub3A_521 = arith.subf %sub3A_520, %slice3A_519 : vector<128x128xf32>
    %get3A_522 = arith.constant 0 : index
    %get3A_523 = arith.constant 4480 : index
    %get3A_524 = vector.load %arg3[%get3A_522, %get3A_523] : memref<1x8192xf32, #tpu.memory_space<vmem>>, vector<1x128xf32>
    %add3A_525 = vector.broadcast %get3A_524 : vector<1x128xf32> to vector<128x128xf32>
    %add3A_526 = arith.addf %sub3A_521, %add3A_525 : vector<128x128xf32>
    %lt3A_527 = arith.cmpf olt, %add3A_526, %min3A_518 : vector<128x128xf32>
    %jit3A_528 = arith.constant 35 : i32
    %broadcast_in_dim3A_529 = vector.broadcast %jit3A_528 : i32 to vector<128x128xi32>
    %select_n3A_530 = arith.select %lt3A_527, %broadcast_in_dim3A_529, %select_n3A_517 : vector<128x128xi1>, vector<128x128xi32>
    %min3A_531 = arith.minimumf %min3A_518, %add3A_526 : vector<128x128xf32>
    %slice3A_532 = vector.extract_strided_slice %dot_general3A_61 {offsets = [0, 4608], sizes = [128, 128], strides = [1, 1]} : vector<128x8192xf32> to vector<128x128xf32>
    %sub3A_533 = vector.broadcast %broadcast_in_dim3A_57 : vector<128x1xf32> to vector<128x128xf32>
    %sub3A_534 = arith.subf %sub3A_533, %slice3A_532 : vector<128x128xf32>
    %get3A_535 = arith.constant 0 : index
    %get3A_536 = arith.constant 4608 : index
    %get3A_537 = vector.load %arg3[%get3A_535, %get3A_536] : memref<1x8192xf32, #tpu.memory_space<vmem>>, vector<1x128xf32>
    %add3A_538 = vector.broadcast %get3A_537 : vector<1x128xf32> to vector<128x128xf32>
    %add3A_539 = arith.addf %sub3A_534, %add3A_538 : vector<128x128xf32>
    %lt3A_540 = arith.cmpf olt, %add3A_539, %min3A_531 : vector<128x128xf32>
    %jit3A_541 = arith.constant 36 : i32
    %broadcast_in_dim3A_542 = vector.broadcast %jit3A_541 : i32 to vector<128x128xi32>
    %select_n3A_543 = arith.select %lt3A_540, %broadcast_in_dim3A_542, %select_n3A_530 : vector<128x128xi1>, vector<128x128xi32>
    %min3A_544 = arith.minimumf %min3A_531, %add3A_539 : vector<128x128xf32>
    %slice3A_545 = vector.extract_strided_slice %dot_general3A_61 {offsets = [0, 4736], sizes = [128, 128], strides = [1, 1]} : vector<128x8192xf32> to vector<128x128xf32>
    %sub3A_546 = vector.broadcast %broadcast_in_dim3A_57 : vector<128x1xf32> to vector<128x128xf32>
    %sub3A_547 = arith.subf %sub3A_546, %slice3A_545 : vector<128x128xf32>
    %get3A_548 = arith.constant 0 : index
    %get3A_549 = arith.constant 4736 : index
    %get3A_550 = vector.load %arg3[%get3A_548, %get3A_549] : memref<1x8192xf32, #tpu.memory_space<vmem>>, vector<1x128xf32>
    %add3A_551 = vector.broadcast %get3A_550 : vector<1x128xf32> to vector<128x128xf32>
    %add3A_552 = arith.addf %sub3A_547, %add3A_551 : vector<128x128xf32>
    %lt3A_553 = arith.cmpf olt, %add3A_552, %min3A_544 : vector<128x128xf32>
    %jit3A_554 = arith.constant 37 : i32
    %broadcast_in_dim3A_555 = vector.broadcast %jit3A_554 : i32 to vector<128x128xi32>
    %select_n3A_556 = arith.select %lt3A_553, %broadcast_in_dim3A_555, %select_n3A_543 : vector<128x128xi1>, vector<128x128xi32>
    %min3A_557 = arith.minimumf %min3A_544, %add3A_552 : vector<128x128xf32>
    %slice3A_558 = vector.extract_strided_slice %dot_general3A_61 {offsets = [0, 4864], sizes = [128, 128], strides = [1, 1]} : vector<128x8192xf32> to vector<128x128xf32>
    %sub3A_559 = vector.broadcast %broadcast_in_dim3A_57 : vector<128x1xf32> to vector<128x128xf32>
    %sub3A_560 = arith.subf %sub3A_559, %slice3A_558 : vector<128x128xf32>
    %get3A_561 = arith.constant 0 : index
    %get3A_562 = arith.constant 4864 : index
    %get3A_563 = vector.load %arg3[%get3A_561, %get3A_562] : memref<1x8192xf32, #tpu.memory_space<vmem>>, vector<1x128xf32>
    %add3A_564 = vector.broadcast %get3A_563 : vector<1x128xf32> to vector<128x128xf32>
    %add3A_565 = arith.addf %sub3A_560, %add3A_564 : vector<128x128xf32>
    %lt3A_566 = arith.cmpf olt, %add3A_565, %min3A_557 : vector<128x128xf32>
    %jit3A_567 = arith.constant 38 : i32
    %broadcast_in_dim3A_568 = vector.broadcast %jit3A_567 : i32 to vector<128x128xi32>
    %select_n3A_569 = arith.select %lt3A_566, %broadcast_in_dim3A_568, %select_n3A_556 : vector<128x128xi1>, vector<128x128xi32>
    %min3A_570 = arith.minimumf %min3A_557, %add3A_565 : vector<128x128xf32>
    %slice3A_571 = vector.extract_strided_slice %dot_general3A_61 {offsets = [0, 4992], sizes = [128, 128], strides = [1, 1]} : vector<128x8192xf32> to vector<128x128xf32>
    %sub3A_572 = vector.broadcast %broadcast_in_dim3A_57 : vector<128x1xf32> to vector<128x128xf32>
    %sub3A_573 = arith.subf %sub3A_572, %slice3A_571 : vector<128x128xf32>
    %get3A_574 = arith.constant 0 : index
    %get3A_575 = arith.constant 4992 : index
    %get3A_576 = vector.load %arg3[%get3A_574, %get3A_575] : memref<1x8192xf32, #tpu.memory_space<vmem>>, vector<1x128xf32>
    %add3A_577 = vector.broadcast %get3A_576 : vector<1x128xf32> to vector<128x128xf32>
    %add3A_578 = arith.addf %sub3A_573, %add3A_577 : vector<128x128xf32>
    %lt3A_579 = arith.cmpf olt, %add3A_578, %min3A_570 : vector<128x128xf32>
    %jit3A_580 = arith.constant 39 : i32
    %broadcast_in_dim3A_581 = vector.broadcast %jit3A_580 : i32 to vector<128x128xi32>
    %select_n3A_582 = arith.select %lt3A_579, %broadcast_in_dim3A_581, %select_n3A_569 : vector<128x128xi1>, vector<128x128xi32>
    %min3A_583 = arith.minimumf %min3A_570, %add3A_578 : vector<128x128xf32>
    %slice3A_584 = vector.extract_strided_slice %dot_general3A_61 {offsets = [0, 5120], sizes = [128, 128], strides = [1, 1]} : vector<128x8192xf32> to vector<128x128xf32>
    %sub3A_585 = vector.broadcast %broadcast_in_dim3A_57 : vector<128x1xf32> to vector<128x128xf32>
    %sub3A_586 = arith.subf %sub3A_585, %slice3A_584 : vector<128x128xf32>
    %get3A_587 = arith.constant 0 : index
    %get3A_588 = arith.constant 5120 : index
    %get3A_589 = vector.load %arg3[%get3A_587, %get3A_588] : memref<1x8192xf32, #tpu.memory_space<vmem>>, vector<1x128xf32>
    %add3A_590 = vector.broadcast %get3A_589 : vector<1x128xf32> to vector<128x128xf32>
    %add3A_591 = arith.addf %sub3A_586, %add3A_590 : vector<128x128xf32>
    %lt3A_592 = arith.cmpf olt, %add3A_591, %min3A_583 : vector<128x128xf32>
    %jit3A_593 = arith.constant 40 : i32
    %broadcast_in_dim3A_594 = vector.broadcast %jit3A_593 : i32 to vector<128x128xi32>
    %select_n3A_595 = arith.select %lt3A_592, %broadcast_in_dim3A_594, %select_n3A_582 : vector<128x128xi1>, vector<128x128xi32>
    %min3A_596 = arith.minimumf %min3A_583, %add3A_591 : vector<128x128xf32>
    %slice3A_597 = vector.extract_strided_slice %dot_general3A_61 {offsets = [0, 5248], sizes = [128, 128], strides = [1, 1]} : vector<128x8192xf32> to vector<128x128xf32>
    %sub3A_598 = vector.broadcast %broadcast_in_dim3A_57 : vector<128x1xf32> to vector<128x128xf32>
    %sub3A_599 = arith.subf %sub3A_598, %slice3A_597 : vector<128x128xf32>
    %get3A_600 = arith.constant 0 : index
    %get3A_601 = arith.constant 5248 : index
    %get3A_602 = vector.load %arg3[%get3A_600, %get3A_601] : memref<1x8192xf32, #tpu.memory_space<vmem>>, vector<1x128xf32>
    %add3A_603 = vector.broadcast %get3A_602 : vector<1x128xf32> to vector<128x128xf32>
    %add3A_604 = arith.addf %sub3A_599, %add3A_603 : vector<128x128xf32>
    %lt3A_605 = arith.cmpf olt, %add3A_604, %min3A_596 : vector<128x128xf32>
    %jit3A_606 = arith.constant 41 : i32
    %broadcast_in_dim3A_607 = vector.broadcast %jit3A_606 : i32 to vector<128x128xi32>
    %select_n3A_608 = arith.select %lt3A_605, %broadcast_in_dim3A_607, %select_n3A_595 : vector<128x128xi1>, vector<128x128xi32>
    %min3A_609 = arith.minimumf %min3A_596, %add3A_604 : vector<128x128xf32>
    %slice3A_610 = vector.extract_strided_slice %dot_general3A_61 {offsets = [0, 5376], sizes = [128, 128], strides = [1, 1]} : vector<128x8192xf32> to vector<128x128xf32>
    %sub3A_611 = vector.broadcast %broadcast_in_dim3A_57 : vector<128x1xf32> to vector<128x128xf32>
    %sub3A_612 = arith.subf %sub3A_611, %slice3A_610 : vector<128x128xf32>
    %get3A_613 = arith.constant 0 : index
    %get3A_614 = arith.constant 5376 : index
    %get3A_615 = vector.load %arg3[%get3A_613, %get3A_614] : memref<1x8192xf32, #tpu.memory_space<vmem>>, vector<1x128xf32>
    %add3A_616 = vector.broadcast %get3A_615 : vector<1x128xf32> to vector<128x128xf32>
    %add3A_617 = arith.addf %sub3A_612, %add3A_616 : vector<128x128xf32>
    %lt3A_618 = arith.cmpf olt, %add3A_617, %min3A_609 : vector<128x128xf32>
    %jit3A_619 = arith.constant 42 : i32
    %broadcast_in_dim3A_620 = vector.broadcast %jit3A_619 : i32 to vector<128x128xi32>
    %select_n3A_621 = arith.select %lt3A_618, %broadcast_in_dim3A_620, %select_n3A_608 : vector<128x128xi1>, vector<128x128xi32>
    %min3A_622 = arith.minimumf %min3A_609, %add3A_617 : vector<128x128xf32>
    %slice3A_623 = vector.extract_strided_slice %dot_general3A_61 {offsets = [0, 5504], sizes = [128, 128], strides = [1, 1]} : vector<128x8192xf32> to vector<128x128xf32>
    %sub3A_624 = vector.broadcast %broadcast_in_dim3A_57 : vector<128x1xf32> to vector<128x128xf32>
    %sub3A_625 = arith.subf %sub3A_624, %slice3A_623 : vector<128x128xf32>
    %get3A_626 = arith.constant 0 : index
    %get3A_627 = arith.constant 5504 : index
    %get3A_628 = vector.load %arg3[%get3A_626, %get3A_627] : memref<1x8192xf32, #tpu.memory_space<vmem>>, vector<1x128xf32>
    %add3A_629 = vector.broadcast %get3A_628 : vector<1x128xf32> to vector<128x128xf32>
    %add3A_630 = arith.addf %sub3A_625, %add3A_629 : vector<128x128xf32>
    %lt3A_631 = arith.cmpf olt, %add3A_630, %min3A_622 : vector<128x128xf32>
    %jit3A_632 = arith.constant 43 : i32
    %broadcast_in_dim3A_633 = vector.broadcast %jit3A_632 : i32 to vector<128x128xi32>
    %select_n3A_634 = arith.select %lt3A_631, %broadcast_in_dim3A_633, %select_n3A_621 : vector<128x128xi1>, vector<128x128xi32>
    %min3A_635 = arith.minimumf %min3A_622, %add3A_630 : vector<128x128xf32>
    %slice3A_636 = vector.extract_strided_slice %dot_general3A_61 {offsets = [0, 5632], sizes = [128, 128], strides = [1, 1]} : vector<128x8192xf32> to vector<128x128xf32>
    %sub3A_637 = vector.broadcast %broadcast_in_dim3A_57 : vector<128x1xf32> to vector<128x128xf32>
    %sub3A_638 = arith.subf %sub3A_637, %slice3A_636 : vector<128x128xf32>
    %get3A_639 = arith.constant 0 : index
    %get3A_640 = arith.constant 5632 : index
    %get3A_641 = vector.load %arg3[%get3A_639, %get3A_640] : memref<1x8192xf32, #tpu.memory_space<vmem>>, vector<1x128xf32>
    %add3A_642 = vector.broadcast %get3A_641 : vector<1x128xf32> to vector<128x128xf32>
    %add3A_643 = arith.addf %sub3A_638, %add3A_642 : vector<128x128xf32>
    %lt3A_644 = arith.cmpf olt, %add3A_643, %min3A_635 : vector<128x128xf32>
    %jit3A_645 = arith.constant 44 : i32
    %broadcast_in_dim3A_646 = vector.broadcast %jit3A_645 : i32 to vector<128x128xi32>
    %select_n3A_647 = arith.select %lt3A_644, %broadcast_in_dim3A_646, %select_n3A_634 : vector<128x128xi1>, vector<128x128xi32>
    %min3A_648 = arith.minimumf %min3A_635, %add3A_643 : vector<128x128xf32>
    %slice3A_649 = vector.extract_strided_slice %dot_general3A_61 {offsets = [0, 5760], sizes = [128, 128], strides = [1, 1]} : vector<128x8192xf32> to vector<128x128xf32>
    %sub3A_650 = vector.broadcast %broadcast_in_dim3A_57 : vector<128x1xf32> to vector<128x128xf32>
    %sub3A_651 = arith.subf %sub3A_650, %slice3A_649 : vector<128x128xf32>
    %get3A_652 = arith.constant 0 : index
    %get3A_653 = arith.constant 5760 : index
    %get3A_654 = vector.load %arg3[%get3A_652, %get3A_653] : memref<1x8192xf32, #tpu.memory_space<vmem>>, vector<1x128xf32>
    %add3A_655 = vector.broadcast %get3A_654 : vector<1x128xf32> to vector<128x128xf32>
    %add3A_656 = arith.addf %sub3A_651, %add3A_655 : vector<128x128xf32>
    %lt3A_657 = arith.cmpf olt, %add3A_656, %min3A_648 : vector<128x128xf32>
    %jit3A_658 = arith.constant 45 : i32
    %broadcast_in_dim3A_659 = vector.broadcast %jit3A_658 : i32 to vector<128x128xi32>
    %select_n3A_660 = arith.select %lt3A_657, %broadcast_in_dim3A_659, %select_n3A_647 : vector<128x128xi1>, vector<128x128xi32>
    %min3A_661 = arith.minimumf %min3A_648, %add3A_656 : vector<128x128xf32>
    %slice3A_662 = vector.extract_strided_slice %dot_general3A_61 {offsets = [0, 5888], sizes = [128, 128], strides = [1, 1]} : vector<128x8192xf32> to vector<128x128xf32>
    %sub3A_663 = vector.broadcast %broadcast_in_dim3A_57 : vector<128x1xf32> to vector<128x128xf32>
    %sub3A_664 = arith.subf %sub3A_663, %slice3A_662 : vector<128x128xf32>
    %get3A_665 = arith.constant 0 : index
    %get3A_666 = arith.constant 5888 : index
    %get3A_667 = vector.load %arg3[%get3A_665, %get3A_666] : memref<1x8192xf32, #tpu.memory_space<vmem>>, vector<1x128xf32>
    %add3A_668 = vector.broadcast %get3A_667 : vector<1x128xf32> to vector<128x128xf32>
    %add3A_669 = arith.addf %sub3A_664, %add3A_668 : vector<128x128xf32>
    %lt3A_670 = arith.cmpf olt, %add3A_669, %min3A_661 : vector<128x128xf32>
    %jit3A_671 = arith.constant 46 : i32
    %broadcast_in_dim3A_672 = vector.broadcast %jit3A_671 : i32 to vector<128x128xi32>
    %select_n3A_673 = arith.select %lt3A_670, %broadcast_in_dim3A_672, %select_n3A_660 : vector<128x128xi1>, vector<128x128xi32>
    %min3A_674 = arith.minimumf %min3A_661, %add3A_669 : vector<128x128xf32>
    %slice3A_675 = vector.extract_strided_slice %dot_general3A_61 {offsets = [0, 6016], sizes = [128, 128], strides = [1, 1]} : vector<128x8192xf32> to vector<128x128xf32>
    %sub3A_676 = vector.broadcast %broadcast_in_dim3A_57 : vector<128x1xf32> to vector<128x128xf32>
    %sub3A_677 = arith.subf %sub3A_676, %slice3A_675 : vector<128x128xf32>
    %get3A_678 = arith.constant 0 : index
    %get3A_679 = arith.constant 6016 : index
    %get3A_680 = vector.load %arg3[%get3A_678, %get3A_679] : memref<1x8192xf32, #tpu.memory_space<vmem>>, vector<1x128xf32>
    %add3A_681 = vector.broadcast %get3A_680 : vector<1x128xf32> to vector<128x128xf32>
    %add3A_682 = arith.addf %sub3A_677, %add3A_681 : vector<128x128xf32>
    %lt3A_683 = arith.cmpf olt, %add3A_682, %min3A_674 : vector<128x128xf32>
    %jit3A_684 = arith.constant 47 : i32
    %broadcast_in_dim3A_685 = vector.broadcast %jit3A_684 : i32 to vector<128x128xi32>
    %select_n3A_686 = arith.select %lt3A_683, %broadcast_in_dim3A_685, %select_n3A_673 : vector<128x128xi1>, vector<128x128xi32>
    %min3A_687 = arith.minimumf %min3A_674, %add3A_682 : vector<128x128xf32>
    %slice3A_688 = vector.extract_strided_slice %dot_general3A_61 {offsets = [0, 6144], sizes = [128, 128], strides = [1, 1]} : vector<128x8192xf32> to vector<128x128xf32>
    %sub3A_689 = vector.broadcast %broadcast_in_dim3A_57 : vector<128x1xf32> to vector<128x128xf32>
    %sub3A_690 = arith.subf %sub3A_689, %slice3A_688 : vector<128x128xf32>
    %get3A_691 = arith.constant 0 : index
    %get3A_692 = arith.constant 6144 : index
    %get3A_693 = vector.load %arg3[%get3A_691, %get3A_692] : memref<1x8192xf32, #tpu.memory_space<vmem>>, vector<1x128xf32>
    %add3A_694 = vector.broadcast %get3A_693 : vector<1x128xf32> to vector<128x128xf32>
    %add3A_695 = arith.addf %sub3A_690, %add3A_694 : vector<128x128xf32>
    %lt3A_696 = arith.cmpf olt, %add3A_695, %min3A_687 : vector<128x128xf32>
    %jit3A_697 = arith.constant 48 : i32
    %broadcast_in_dim3A_698 = vector.broadcast %jit3A_697 : i32 to vector<128x128xi32>
    %select_n3A_699 = arith.select %lt3A_696, %broadcast_in_dim3A_698, %select_n3A_686 : vector<128x128xi1>, vector<128x128xi32>
    %min3A_700 = arith.minimumf %min3A_687, %add3A_695 : vector<128x128xf32>
    %slice3A_701 = vector.extract_strided_slice %dot_general3A_61 {offsets = [0, 6272], sizes = [128, 128], strides = [1, 1]} : vector<128x8192xf32> to vector<128x128xf32>
    %sub3A_702 = vector.broadcast %broadcast_in_dim3A_57 : vector<128x1xf32> to vector<128x128xf32>
    %sub3A_703 = arith.subf %sub3A_702, %slice3A_701 : vector<128x128xf32>
    %get3A_704 = arith.constant 0 : index
    %get3A_705 = arith.constant 6272 : index
    %get3A_706 = vector.load %arg3[%get3A_704, %get3A_705] : memref<1x8192xf32, #tpu.memory_space<vmem>>, vector<1x128xf32>
    %add3A_707 = vector.broadcast %get3A_706 : vector<1x128xf32> to vector<128x128xf32>
    %add3A_708 = arith.addf %sub3A_703, %add3A_707 : vector<128x128xf32>
    %lt3A_709 = arith.cmpf olt, %add3A_708, %min3A_700 : vector<128x128xf32>
    %jit3A_710 = arith.constant 49 : i32
    %broadcast_in_dim3A_711 = vector.broadcast %jit3A_710 : i32 to vector<128x128xi32>
    %select_n3A_712 = arith.select %lt3A_709, %broadcast_in_dim3A_711, %select_n3A_699 : vector<128x128xi1>, vector<128x128xi32>
    %min3A_713 = arith.minimumf %min3A_700, %add3A_708 : vector<128x128xf32>
    %slice3A_714 = vector.extract_strided_slice %dot_general3A_61 {offsets = [0, 6400], sizes = [128, 128], strides = [1, 1]} : vector<128x8192xf32> to vector<128x128xf32>
    %sub3A_715 = vector.broadcast %broadcast_in_dim3A_57 : vector<128x1xf32> to vector<128x128xf32>
    %sub3A_716 = arith.subf %sub3A_715, %slice3A_714 : vector<128x128xf32>
    %get3A_717 = arith.constant 0 : index
    %get3A_718 = arith.constant 6400 : index
    %get3A_719 = vector.load %arg3[%get3A_717, %get3A_718] : memref<1x8192xf32, #tpu.memory_space<vmem>>, vector<1x128xf32>
    %add3A_720 = vector.broadcast %get3A_719 : vector<1x128xf32> to vector<128x128xf32>
    %add3A_721 = arith.addf %sub3A_716, %add3A_720 : vector<128x128xf32>
    %lt3A_722 = arith.cmpf olt, %add3A_721, %min3A_713 : vector<128x128xf32>
    %jit3A_723 = arith.constant 50 : i32
    %broadcast_in_dim3A_724 = vector.broadcast %jit3A_723 : i32 to vector<128x128xi32>
    %select_n3A_725 = arith.select %lt3A_722, %broadcast_in_dim3A_724, %select_n3A_712 : vector<128x128xi1>, vector<128x128xi32>
    %min3A_726 = arith.minimumf %min3A_713, %add3A_721 : vector<128x128xf32>
    %slice3A_727 = vector.extract_strided_slice %dot_general3A_61 {offsets = [0, 6528], sizes = [128, 128], strides = [1, 1]} : vector<128x8192xf32> to vector<128x128xf32>
    %sub3A_728 = vector.broadcast %broadcast_in_dim3A_57 : vector<128x1xf32> to vector<128x128xf32>
    %sub3A_729 = arith.subf %sub3A_728, %slice3A_727 : vector<128x128xf32>
    %get3A_730 = arith.constant 0 : index
    %get3A_731 = arith.constant 6528 : index
    %get3A_732 = vector.load %arg3[%get3A_730, %get3A_731] : memref<1x8192xf32, #tpu.memory_space<vmem>>, vector<1x128xf32>
    %add3A_733 = vector.broadcast %get3A_732 : vector<1x128xf32> to vector<128x128xf32>
    %add3A_734 = arith.addf %sub3A_729, %add3A_733 : vector<128x128xf32>
    %lt3A_735 = arith.cmpf olt, %add3A_734, %min3A_726 : vector<128x128xf32>
    %jit3A_736 = arith.constant 51 : i32
    %broadcast_in_dim3A_737 = vector.broadcast %jit3A_736 : i32 to vector<128x128xi32>
    %select_n3A_738 = arith.select %lt3A_735, %broadcast_in_dim3A_737, %select_n3A_725 : vector<128x128xi1>, vector<128x128xi32>
    %min3A_739 = arith.minimumf %min3A_726, %add3A_734 : vector<128x128xf32>
    %slice3A_740 = vector.extract_strided_slice %dot_general3A_61 {offsets = [0, 6656], sizes = [128, 128], strides = [1, 1]} : vector<128x8192xf32> to vector<128x128xf32>
    %sub3A_741 = vector.broadcast %broadcast_in_dim3A_57 : vector<128x1xf32> to vector<128x128xf32>
    %sub3A_742 = arith.subf %sub3A_741, %slice3A_740 : vector<128x128xf32>
    %get3A_743 = arith.constant 0 : index
    %get3A_744 = arith.constant 6656 : index
    %get3A_745 = vector.load %arg3[%get3A_743, %get3A_744] : memref<1x8192xf32, #tpu.memory_space<vmem>>, vector<1x128xf32>
    %add3A_746 = vector.broadcast %get3A_745 : vector<1x128xf32> to vector<128x128xf32>
    %add3A_747 = arith.addf %sub3A_742, %add3A_746 : vector<128x128xf32>
    %lt3A_748 = arith.cmpf olt, %add3A_747, %min3A_739 : vector<128x128xf32>
    %jit3A_749 = arith.constant 52 : i32
    %broadcast_in_dim3A_750 = vector.broadcast %jit3A_749 : i32 to vector<128x128xi32>
    %select_n3A_751 = arith.select %lt3A_748, %broadcast_in_dim3A_750, %select_n3A_738 : vector<128x128xi1>, vector<128x128xi32>
    %min3A_752 = arith.minimumf %min3A_739, %add3A_747 : vector<128x128xf32>
    %slice3A_753 = vector.extract_strided_slice %dot_general3A_61 {offsets = [0, 6784], sizes = [128, 128], strides = [1, 1]} : vector<128x8192xf32> to vector<128x128xf32>
    %sub3A_754 = vector.broadcast %broadcast_in_dim3A_57 : vector<128x1xf32> to vector<128x128xf32>
    %sub3A_755 = arith.subf %sub3A_754, %slice3A_753 : vector<128x128xf32>
    %get3A_756 = arith.constant 0 : index
    %get3A_757 = arith.constant 6784 : index
    %get3A_758 = vector.load %arg3[%get3A_756, %get3A_757] : memref<1x8192xf32, #tpu.memory_space<vmem>>, vector<1x128xf32>
    %add3A_759 = vector.broadcast %get3A_758 : vector<1x128xf32> to vector<128x128xf32>
    %add3A_760 = arith.addf %sub3A_755, %add3A_759 : vector<128x128xf32>
    %lt3A_761 = arith.cmpf olt, %add3A_760, %min3A_752 : vector<128x128xf32>
    %jit3A_762 = arith.constant 53 : i32
    %broadcast_in_dim3A_763 = vector.broadcast %jit3A_762 : i32 to vector<128x128xi32>
    %select_n3A_764 = arith.select %lt3A_761, %broadcast_in_dim3A_763, %select_n3A_751 : vector<128x128xi1>, vector<128x128xi32>
    %min3A_765 = arith.minimumf %min3A_752, %add3A_760 : vector<128x128xf32>
    %slice3A_766 = vector.extract_strided_slice %dot_general3A_61 {offsets = [0, 6912], sizes = [128, 128], strides = [1, 1]} : vector<128x8192xf32> to vector<128x128xf32>
    %sub3A_767 = vector.broadcast %broadcast_in_dim3A_57 : vector<128x1xf32> to vector<128x128xf32>
    %sub3A_768 = arith.subf %sub3A_767, %slice3A_766 : vector<128x128xf32>
    %get3A_769 = arith.constant 0 : index
    %get3A_770 = arith.constant 6912 : index
    %get3A_771 = vector.load %arg3[%get3A_769, %get3A_770] : memref<1x8192xf32, #tpu.memory_space<vmem>>, vector<1x128xf32>
    %add3A_772 = vector.broadcast %get3A_771 : vector<1x128xf32> to vector<128x128xf32>
    %add3A_773 = arith.addf %sub3A_768, %add3A_772 : vector<128x128xf32>
    %lt3A_774 = arith.cmpf olt, %add3A_773, %min3A_765 : vector<128x128xf32>
    %jit3A_775 = arith.constant 54 : i32
    %broadcast_in_dim3A_776 = vector.broadcast %jit3A_775 : i32 to vector<128x128xi32>
    %select_n3A_777 = arith.select %lt3A_774, %broadcast_in_dim3A_776, %select_n3A_764 : vector<128x128xi1>, vector<128x128xi32>
    %min3A_778 = arith.minimumf %min3A_765, %add3A_773 : vector<128x128xf32>
    %slice3A_779 = vector.extract_strided_slice %dot_general3A_61 {offsets = [0, 7040], sizes = [128, 128], strides = [1, 1]} : vector<128x8192xf32> to vector<128x128xf32>
    %sub3A_780 = vector.broadcast %broadcast_in_dim3A_57 : vector<128x1xf32> to vector<128x128xf32>
    %sub3A_781 = arith.subf %sub3A_780, %slice3A_779 : vector<128x128xf32>
    %get3A_782 = arith.constant 0 : index
    %get3A_783 = arith.constant 7040 : index
    %get3A_784 = vector.load %arg3[%get3A_782, %get3A_783] : memref<1x8192xf32, #tpu.memory_space<vmem>>, vector<1x128xf32>
    %add3A_785 = vector.broadcast %get3A_784 : vector<1x128xf32> to vector<128x128xf32>
    %add3A_786 = arith.addf %sub3A_781, %add3A_785 : vector<128x128xf32>
    %lt3A_787 = arith.cmpf olt, %add3A_786, %min3A_778 : vector<128x128xf32>
    %jit3A_788 = arith.constant 55 : i32
    %broadcast_in_dim3A_789 = vector.broadcast %jit3A_788 : i32 to vector<128x128xi32>
    %select_n3A_790 = arith.select %lt3A_787, %broadcast_in_dim3A_789, %select_n3A_777 : vector<128x128xi1>, vector<128x128xi32>
    %min3A_791 = arith.minimumf %min3A_778, %add3A_786 : vector<128x128xf32>
    %slice3A_792 = vector.extract_strided_slice %dot_general3A_61 {offsets = [0, 7168], sizes = [128, 128], strides = [1, 1]} : vector<128x8192xf32> to vector<128x128xf32>
    %sub3A_793 = vector.broadcast %broadcast_in_dim3A_57 : vector<128x1xf32> to vector<128x128xf32>
    %sub3A_794 = arith.subf %sub3A_793, %slice3A_792 : vector<128x128xf32>
    %get3A_795 = arith.constant 0 : index
    %get3A_796 = arith.constant 7168 : index
    %get3A_797 = vector.load %arg3[%get3A_795, %get3A_796] : memref<1x8192xf32, #tpu.memory_space<vmem>>, vector<1x128xf32>
    %add3A_798 = vector.broadcast %get3A_797 : vector<1x128xf32> to vector<128x128xf32>
    %add3A_799 = arith.addf %sub3A_794, %add3A_798 : vector<128x128xf32>
    %lt3A_800 = arith.cmpf olt, %add3A_799, %min3A_791 : vector<128x128xf32>
    %jit3A_801 = arith.constant 56 : i32
    %broadcast_in_dim3A_802 = vector.broadcast %jit3A_801 : i32 to vector<128x128xi32>
    %select_n3A_803 = arith.select %lt3A_800, %broadcast_in_dim3A_802, %select_n3A_790 : vector<128x128xi1>, vector<128x128xi32>
    %min3A_804 = arith.minimumf %min3A_791, %add3A_799 : vector<128x128xf32>
    %slice3A_805 = vector.extract_strided_slice %dot_general3A_61 {offsets = [0, 7296], sizes = [128, 128], strides = [1, 1]} : vector<128x8192xf32> to vector<128x128xf32>
    %sub3A_806 = vector.broadcast %broadcast_in_dim3A_57 : vector<128x1xf32> to vector<128x128xf32>
    %sub3A_807 = arith.subf %sub3A_806, %slice3A_805 : vector<128x128xf32>
    %get3A_808 = arith.constant 0 : index
    %get3A_809 = arith.constant 7296 : index
    %get3A_810 = vector.load %arg3[%get3A_808, %get3A_809] : memref<1x8192xf32, #tpu.memory_space<vmem>>, vector<1x128xf32>
    %add3A_811 = vector.broadcast %get3A_810 : vector<1x128xf32> to vector<128x128xf32>
    %add3A_812 = arith.addf %sub3A_807, %add3A_811 : vector<128x128xf32>
    %lt3A_813 = arith.cmpf olt, %add3A_812, %min3A_804 : vector<128x128xf32>
    %jit3A_814 = arith.constant 57 : i32
    %broadcast_in_dim3A_815 = vector.broadcast %jit3A_814 : i32 to vector<128x128xi32>
    %select_n3A_816 = arith.select %lt3A_813, %broadcast_in_dim3A_815, %select_n3A_803 : vector<128x128xi1>, vector<128x128xi32>
    %min3A_817 = arith.minimumf %min3A_804, %add3A_812 : vector<128x128xf32>
    %slice3A_818 = vector.extract_strided_slice %dot_general3A_61 {offsets = [0, 7424], sizes = [128, 128], strides = [1, 1]} : vector<128x8192xf32> to vector<128x128xf32>
    %sub3A_819 = vector.broadcast %broadcast_in_dim3A_57 : vector<128x1xf32> to vector<128x128xf32>
    %sub3A_820 = arith.subf %sub3A_819, %slice3A_818 : vector<128x128xf32>
    %get3A_821 = arith.constant 0 : index
    %get3A_822 = arith.constant 7424 : index
    %get3A_823 = vector.load %arg3[%get3A_821, %get3A_822] : memref<1x8192xf32, #tpu.memory_space<vmem>>, vector<1x128xf32>
    %add3A_824 = vector.broadcast %get3A_823 : vector<1x128xf32> to vector<128x128xf32>
    %add3A_825 = arith.addf %sub3A_820, %add3A_824 : vector<128x128xf32>
    %lt3A_826 = arith.cmpf olt, %add3A_825, %min3A_817 : vector<128x128xf32>
    %jit3A_827 = arith.constant 58 : i32
    %broadcast_in_dim3A_828 = vector.broadcast %jit3A_827 : i32 to vector<128x128xi32>
    %select_n3A_829 = arith.select %lt3A_826, %broadcast_in_dim3A_828, %select_n3A_816 : vector<128x128xi1>, vector<128x128xi32>
    %min3A_830 = arith.minimumf %min3A_817, %add3A_825 : vector<128x128xf32>
    %slice3A_831 = vector.extract_strided_slice %dot_general3A_61 {offsets = [0, 7552], sizes = [128, 128], strides = [1, 1]} : vector<128x8192xf32> to vector<128x128xf32>
    %sub3A_832 = vector.broadcast %broadcast_in_dim3A_57 : vector<128x1xf32> to vector<128x128xf32>
    %sub3A_833 = arith.subf %sub3A_832, %slice3A_831 : vector<128x128xf32>
    %get3A_834 = arith.constant 0 : index
    %get3A_835 = arith.constant 7552 : index
    %get3A_836 = vector.load %arg3[%get3A_834, %get3A_835] : memref<1x8192xf32, #tpu.memory_space<vmem>>, vector<1x128xf32>
    %add3A_837 = vector.broadcast %get3A_836 : vector<1x128xf32> to vector<128x128xf32>
    %add3A_838 = arith.addf %sub3A_833, %add3A_837 : vector<128x128xf32>
    %lt3A_839 = arith.cmpf olt, %add3A_838, %min3A_830 : vector<128x128xf32>
    %jit3A_840 = arith.constant 59 : i32
    %broadcast_in_dim3A_841 = vector.broadcast %jit3A_840 : i32 to vector<128x128xi32>
    %select_n3A_842 = arith.select %lt3A_839, %broadcast_in_dim3A_841, %select_n3A_829 : vector<128x128xi1>, vector<128x128xi32>
    %min3A_843 = arith.minimumf %min3A_830, %add3A_838 : vector<128x128xf32>
    %slice3A_844 = vector.extract_strided_slice %dot_general3A_61 {offsets = [0, 7680], sizes = [128, 128], strides = [1, 1]} : vector<128x8192xf32> to vector<128x128xf32>
    %sub3A_845 = vector.broadcast %broadcast_in_dim3A_57 : vector<128x1xf32> to vector<128x128xf32>
    %sub3A_846 = arith.subf %sub3A_845, %slice3A_844 : vector<128x128xf32>
    %get3A_847 = arith.constant 0 : index
    %get3A_848 = arith.constant 7680 : index
    %get3A_849 = vector.load %arg3[%get3A_847, %get3A_848] : memref<1x8192xf32, #tpu.memory_space<vmem>>, vector<1x128xf32>
    %add3A_850 = vector.broadcast %get3A_849 : vector<1x128xf32> to vector<128x128xf32>
    %add3A_851 = arith.addf %sub3A_846, %add3A_850 : vector<128x128xf32>
    %lt3A_852 = arith.cmpf olt, %add3A_851, %min3A_843 : vector<128x128xf32>
    %jit3A_853 = arith.constant 60 : i32
    %broadcast_in_dim3A_854 = vector.broadcast %jit3A_853 : i32 to vector<128x128xi32>
    %select_n3A_855 = arith.select %lt3A_852, %broadcast_in_dim3A_854, %select_n3A_842 : vector<128x128xi1>, vector<128x128xi32>
    %min3A_856 = arith.minimumf %min3A_843, %add3A_851 : vector<128x128xf32>
    %slice3A_857 = vector.extract_strided_slice %dot_general3A_61 {offsets = [0, 7808], sizes = [128, 128], strides = [1, 1]} : vector<128x8192xf32> to vector<128x128xf32>
    %sub3A_858 = vector.broadcast %broadcast_in_dim3A_57 : vector<128x1xf32> to vector<128x128xf32>
    %sub3A_859 = arith.subf %sub3A_858, %slice3A_857 : vector<128x128xf32>
    %get3A_860 = arith.constant 0 : index
    %get3A_861 = arith.constant 7808 : index
    %get3A_862 = vector.load %arg3[%get3A_860, %get3A_861] : memref<1x8192xf32, #tpu.memory_space<vmem>>, vector<1x128xf32>
    %add3A_863 = vector.broadcast %get3A_862 : vector<1x128xf32> to vector<128x128xf32>
    %add3A_864 = arith.addf %sub3A_859, %add3A_863 : vector<128x128xf32>
    %lt3A_865 = arith.cmpf olt, %add3A_864, %min3A_856 : vector<128x128xf32>
    %jit3A_866 = arith.constant 61 : i32
    %broadcast_in_dim3A_867 = vector.broadcast %jit3A_866 : i32 to vector<128x128xi32>
    %select_n3A_868 = arith.select %lt3A_865, %broadcast_in_dim3A_867, %select_n3A_855 : vector<128x128xi1>, vector<128x128xi32>
    %min3A_869 = arith.minimumf %min3A_856, %add3A_864 : vector<128x128xf32>
    %slice3A_870 = vector.extract_strided_slice %dot_general3A_61 {offsets = [0, 7936], sizes = [128, 128], strides = [1, 1]} : vector<128x8192xf32> to vector<128x128xf32>
    %sub3A_871 = vector.broadcast %broadcast_in_dim3A_57 : vector<128x1xf32> to vector<128x128xf32>
    %sub3A_872 = arith.subf %sub3A_871, %slice3A_870 : vector<128x128xf32>
    %get3A_873 = arith.constant 0 : index
    %get3A_874 = arith.constant 7936 : index
    %get3A_875 = vector.load %arg3[%get3A_873, %get3A_874] : memref<1x8192xf32, #tpu.memory_space<vmem>>, vector<1x128xf32>
    %add3A_876 = vector.broadcast %get3A_875 : vector<1x128xf32> to vector<128x128xf32>
    %add3A_877 = arith.addf %sub3A_872, %add3A_876 : vector<128x128xf32>
    %lt3A_878 = arith.cmpf olt, %add3A_877, %min3A_869 : vector<128x128xf32>
    %jit3A_879 = arith.constant 62 : i32
    %broadcast_in_dim3A_880 = vector.broadcast %jit3A_879 : i32 to vector<128x128xi32>
    %select_n3A_881 = arith.select %lt3A_878, %broadcast_in_dim3A_880, %select_n3A_868 : vector<128x128xi1>, vector<128x128xi32>
    %min3A_882 = arith.minimumf %min3A_869, %add3A_877 : vector<128x128xf32>
    %slice3A_883 = vector.extract_strided_slice %dot_general3A_61 {offsets = [0, 8064], sizes = [128, 128], strides = [1, 1]} : vector<128x8192xf32> to vector<128x128xf32>
    %sub3A_884 = vector.broadcast %broadcast_in_dim3A_57 : vector<128x1xf32> to vector<128x128xf32>
    %sub3A_885 = arith.subf %sub3A_884, %slice3A_883 : vector<128x128xf32>
    %get3A_886 = arith.constant 0 : index
    %get3A_887 = arith.constant 8064 : index
    %get3A_888 = vector.load %arg3[%get3A_886, %get3A_887] : memref<1x8192xf32, #tpu.memory_space<vmem>>, vector<1x128xf32>
    %add3A_889 = vector.broadcast %get3A_888 : vector<1x128xf32> to vector<128x128xf32>
    %add3A_890 = arith.addf %sub3A_885, %add3A_889 : vector<128x128xf32>
    %lt3A_891 = arith.cmpf olt, %add3A_890, %min3A_882 : vector<128x128xf32>
    %jit3A_892 = arith.constant 63 : i32
    %broadcast_in_dim3A_893 = vector.broadcast %jit3A_892 : i32 to vector<128x128xi32>
    %select_n3A_894 = arith.select %lt3A_891, %broadcast_in_dim3A_893, %select_n3A_881 : vector<128x128xi1>, vector<128x128xi32>
    %min3A_895 = arith.minimumf %min3A_882, %add3A_890 : vector<128x128xf32>
    %swap3A_896 = arith.index_cast %select_n3A_7 : i32 to index
    %swap3A_897 = arith.constant 0 : index
    %swap3A_898 = arith.constant 0 : index
    %swap3A_899 = vector.load %arg6[%swap3A_896, %swap3A_897, %swap3A_898] : memref<2x128x128xf32, #tpu.memory_space<vmem>>, vector<1x128x128xf32>
    %swap3A_900 = vector.shape_cast %swap3A_899 : vector<1x128x128xf32> to vector<128x128xf32>
    %swap3A_901 = vector.shape_cast %min3A_895 : vector<128x128xf32> to vector<1x128x128xf32>
    tpu.vector_store %arg6[%swap3A_896, %swap3A_897, %swap3A_898], %swap3A_901 {strides = array<i32>} : memref<2x128x128xf32, #tpu.memory_space<vmem>>, vector<1x128x128xf32>,
    %swap3A_902 = arith.index_cast %select_n3A_7 : i32 to index
    %swap3A_903 = arith.constant 0 : index
    %swap3A_904 = arith.constant 0 : index
    %swap3A_905 = vector.load %arg7[%swap3A_902, %swap3A_903, %swap3A_904] : memref<2x128x128xi32, #tpu.memory_space<vmem>>, vector<1x128x128xi32>
    %swap3A_906 = vector.shape_cast %swap3A_905 : vector<1x128x128xi32> to vector<128x128xi32>
    %swap3A_907 = vector.shape_cast %select_n3A_894 : vector<128x128xi32> to vector<1x128x128xi32>
    tpu.vector_store %arg7[%swap3A_902, %swap3A_903, %swap3A_904], %swap3A_907 {strides = array<i32>} : memref<2x128x128xi32, #tpu.memory_space<vmem>>, vector<1x128x128xi32>,
    %eq3A_908 = arith.constant 128 : i32
    %eq3A_909 = arith.cmpi eq, %arg0, %eq3A_908 : i32
    %convert_element_type3A_910 = arith.extui %eq3A_909 : i1 to i32
    %cond3A = arith.constant 0 : i32
    %cond3A_911 = arith.cmpi ne, %convert_element_type3A_910, %cond3A : i32
    scf.if %cond3A_911 {
      %get3A_912 = arith.constant 0 : index
      %get3A_913 = arith.constant 0 : index
      %get3A_914 = vector.load %arg8[%get3A_912, %get3A_913] : memref<128x1xf32, #tpu.memory_space<vmem>>, vector<128x1xf32>
      %reduce_sum3A_915 = vector.shape_cast %get3A_914 : vector<128x1xf32> to vector<1x128x1xf32>
      %reduce_sum3A_916 = arith.constant dense<0.000000e+00> : vector<1xf32>
      %reduce_sum3A_917 = vector.multi_reduction <add>, %reduce_sum3A_915, %reduce_sum3A_916 [1, 2] : vector<1x128x1xf32> to vector<1xf32>
      %reduce_sum3A_918 = vector.shape_cast %reduce_sum3A_917 : vector<1xf32> to vector<1x1x1xf32>
      %reduce_sum3A_919 = vector.extract %reduce_sum3A_918[0, 0, 0] : f32 from vector<1x1x1xf32>
      %mul3A_920 = arith.constant 2.38418579E-6 : f32
      %mul3A_921 = arith.mulf %reduce_sum3A_919, %mul3A_920 : f32
      %reshape3A_922 = vector.broadcast %mul3A_921 : f32 to vector<1x1xf32>
      %swap3A_923 = arith.constant 0 : index
      %swap3A_924 = arith.constant 0 : index
      %swap3A_925 = vector.load %arg5[%swap3A_923, %swap3A_924] : memref<1x1xf32, #tpu.memory_space<vmem>>, vector<1x1xf32>
      tpu.vector_store %arg5[%swap3A_923, %swap3A_924], %reshape3A_922 {strides = array<i32>} : memref<1x1xf32, #tpu.memory_space<vmem>>, vector<1x1xf32>,
    } else {
    }
    return
  }
  func.func @transform_0(%arg0: i32) -> (i32, i32) {
    %min3A = arith.constant 127 : i32
    %min3A_0 = arith.minsi %arg0, %min3A : i32
    %c0_i32 = arith.constant 0 : i32
    %c0_i32_1 = arith.constant 0 : i32
    return %min3A_0, %c0_i32 : i32, i32
  }
  func.func @transform_1(%arg0: i32) -> (i32, i32) {
    %c0_i32 = arith.constant 0 : i32
    %c0_i32_0 = arith.constant 0 : i32
    %c0_i32_1 = arith.constant 0 : i32
    return %c0_i32, %c0_i32_0 : i32, i32
  }
  func.func @transform_2(%arg0: i32) -> (i32, i32) {
    %c0_i32 = arith.constant 0 : i32
    %c0_i32_0 = arith.constant 0 : i32
    %c0_i32_1 = arith.constant 0 : i32
    return %c0_i32, %c0_i32_0 : i32, i32
  }
  func.func @transform_3(%arg0: i32) -> (i32, i32, i32) {
    %sub3A = arith.constant 1 : i32
    %sub3A_0 = arith.subi %arg0, %sub3A : i32
    %max3A = arith.constant 0 : i32
    %max3A_1 = arith.maxsi %sub3A_0, %max3A : i32
    %c0_i32 = arith.constant 0 : i32
    %c0_i32_2 = arith.constant 0 : i32
    %c0_i32_3 = arith.constant 0 : i32
    return %max3A_1, %c0_i32, %c0_i32_2 : i32, i32, i32
  }
  func.func @transform_4(%arg0: i32) -> (i32, i32) {
    %c0_i32 = arith.constant 0 : i32
    %c0_i32_0 = arith.constant 0 : i32
    %c0_i32_1 = arith.constant 0 : i32
    return %c0_i32, %c0_i32_0 : i32, i32
  }
}

</mosaic_0001>

<sc_bundles>
// kernel: kernel.4.cloned.1.call-start
scs
__scs_entry_jumppad:
0x0: {  	(pc) =	sbr.rel $0x88, $3  }
0x1: {  	(tag) =	ssettag $0x0;
	lr =	simm.s32 $0x1  }
0x2: {  	[smem:$0x3F9F] =	sst lr;
	_ =	strace $0xD0000000  }
0x3: {  	_ = 	snop  }
0x4: {  	_ = 	snop  }
0x5: {  	_ = 	snop  }
0x6: {  	_ = 	snop  }
0x7: {  	_ = 	snop  }
__scs_overlays_trampoline_lowered:
0x8: {  	[smem:$0x3FAE] =	sst s0  }
0x9: {  	[smem:$0x3FAF] =	sst s1  }
0xa: {  	[smem:$0x3FB0] =	sst s2  }
0xb: {  	[smem:$0x3FB1] =	sst s3  }
0xc: {  	[smem:$0x3FB2] =	sst s4  }
0xd: {  	[smem:$0x3FB3] =	sst s5  }
0xe: {  	[smem:$0x3FB4] =	sst s6  }
0xf: {  	[smem:$0x3FB5] =	sst s7  }
0x10: {  	[smem:$0x3FB6] =	sst s8  }
0x11: {  	[smem:$0x3FB7] =	sst s9;
	s0 =	simm.s32 @!p0 $0x0  }
0x12: {  	s1 =	sld [smem:$0x3F9D];
	s0 =	simm.s32 @p0 $0x1  }
0x13: {  	[smem:$0x3FB8] =	sst s0;
	s0 =	simm.s32 @!p1 $0x0  }
0x14: {  	s2 =	sld [smem:$0x3F9C];
	s0 =	simm.s32 @p1 $0x1  }
0x15: {  	[smem:$0x3FB9] =	sst s0;
	s0 =	simm.s32 @!p2 $0x0  }
0x16: {  	s3 =	sld [smem:$0x3FDB];
	s0 =	simm.s32 @p2 $0x1  }
0x17: {  	s4 =	simm.s32 $0x1BF5;
	[smem:$0x3FBB] =	sst s0  }
0x18: {  	s0 =	sld [smem:$0x3F9E];
	_ =	swait.ge [sflag:s4], $0x0  }
0x19: {  	s7 =	sld [smem:$0x3F9F]  }
0x1a: {  	s8 =	sadd.s32 $0xFFFFE003, lr  }
0x1b: {  	s9 =	sadd.s32 $0xFFFFFEF7, lr;
	s5 =	simm.s32 $0xFFFFFFFF;
	p2 =	slt.u32 s8, $0xFFFFF086  }
0x1c: {  	p1 =	slt.u32 s9, $0xF7A;
	s5 =	simm.s32 @!p2 $0x0  }
0x1d: {  	s5 =	simm.s32 @p1 $0x1;
	p0 =	seq.s32 s7, s2  }
0x1e: {  	s7 =	smul.u32 @!p0 $0xF7A, s2;
	p2 =	seq.s32 @!p0 s5, $0x0  }
0x1f: {  	s9 =	smul.u32 $0xF7A, s1;
	s8 =	simm.s32 @!p0 $0x1BF5;
	p2 =	por !p2, p0  }
0x20: {  	[sflag:s8] =	ssyncset.s32 @!p0 $0xFFFFF086;
	s6 =	sadd.s32 @!p0 s3, s7;
	s7 =	simm.s32 @!p0 $0x108  }
0x21: {  	s3 =	sadd.s32 s3, s9;
	s6 =	sadd.s32 @!p0 $0x88, s6;
	s7 =	simm.s32 @p2 $0x1082  }
0x22: {  	[simem:s7], [sflag:s8] =	dma.local @!p0 [hbm:s6], $0xF7A  }
0x23: {  	s9 =	sor.u32 $0xD0000000, s2;
	s6 =	simm.s32 $0x108;
	_ =	swait.ge @!p0 [sflag:s8], $0x0  }
0x24: {  	s3 =	sadd.s32 $0x88, s3;
	s6 =	simm.s32 @!p1 $0x1082;
	[sflag:s4] =	ssyncset.s32 $0xFFFFF086  }
0x25: {  	[simem:s6], [sflag:s4] =	dma.local [hbm:s3], $0xF7A  }
0x26: {  	[smem:$0x3F9F] =	sst s1;
	(tag) =	ssettag s2;
	_ =	strace s9  }
0x27: {  	s1 =	sld [smem:$0x3FAF]  }
0x28: {  	s2 =	sld [smem:$0x3FB0]  }
0x29: {  	s4 =	sld [smem:$0x3FB2]  }
0x2a: {  	p0 =	seq.s32 s5, $0x0;
	s5 =	sld [smem:$0x3FB3]  }
0x2b: {  	s6 =	sld [smem:$0x3FB4]  }
0x2c: {  	s7 =	sld [smem:$0x3FB5]  }
0x2d: {  	s3 =	simm.s32 $0x108;
	s8 =	sld [smem:$0x3FB6]  }
0x2e: {  	s3 =	simm.s32 @!p0 $0x1082;
	s9 =	sld [smem:$0x3FB7]  }
0x2f: {  	lr =	sadd.s32 s0, s3;
	s0 =	sld [smem:$0x3FAE]  }
0x30: {  	s3 =	sld [smem:$0x3FB1]  }
0x31: {  	[smem:$0x3FBA] =	sst s10  }
0x32: {  	s10 =	sld [smem:$0x3FB8];
	_ =	sdelay $0x3  }
0x33: {  	p0 =	seq.s32 s10, $0x1;
	s10 =	sld [smem:$0x3FBA];
	_ =	sdelay $0x3  }
0x34: {  	[smem:$0x3FBA] =	sst s10  }
0x35: {  	s10 =	sld [smem:$0x3FB9];
	_ =	sdelay $0x3  }
0x36: {  	p1 =	seq.s32 s10, $0x1;
	s10 =	sld [smem:$0x3FBA];
	_ =	sdelay $0x3  }
0x37: {  	[smem:$0x3FBA] =	sst s10  }
0x38: {  	s10 =	sld [smem:$0x3FBB]  }
0x39: {  	_ = 	snop;
	(pc) =	sbr.ind lr, $3  }
0x3a: {  	_ = 	snop  }
0x3b: {  	_ = 	snop  }
0x3c: {  	p2 =	seq.s32 s10, $0x1;
	s10 =	sld [smem:$0x3FBA]  }
0x3d: {  	_ =	shalt  }
0x3e: {  	_ =	shalt  }
0x3f: {  	_ =	shalt  }
0x40: {  	_ =	shalt  }
0x41: {  	_ =	shalt  }
0x42: {  	_ =	shalt  }
0x43: {  	_ =	shalt  }
0x44: {  	_ =	shalt  }
0x45: {  	_ =	shalt  }
0x46: {  	_ =	shalt  }
0x47: {  	_ =	shalt  }
0x48: {  	_ =	shalt  }
0x49: {  	_ =	shalt  }
0x4a: {  	_ =	shalt  }
0x4b: {  	_ =	shalt  }
0x4c: {  	_ =	shalt  }
0x4d: {  	_ =	shalt  }
0x4e: {  	_ =	shalt  }
0x4f: {  	_ =	shalt  }
0x50: {  	_ =	shalt  }
0x51: {  	_ =	shalt  }
0x52: {  	_ =	shalt  }
0x53: {  	_ =	shalt  }
0x54: {  	_ =	shalt  }
0x55: {  	_ =	shalt  }
0x56: {  	_ =	shalt  }
0x57: {  	_ =	shalt  }
0x58: {  	_ =	shalt  }
0x59: {  	_ =	shalt  }
0x5a: {  	_ =	shalt  }
0x5b: {  	_ =	shalt  }
0x5c: {  	_ =	shalt  }
0x5d: {  	_ =	shalt  }
0x5e: {  	_ =	shalt  }
0x5f: {  	_ =	shalt  }
0x60: {  	_ =	shalt  }
0x61: {  	_ =	shalt  }
0x62: {  	_ =	shalt  }
0x63: {  	_ =	shalt  }
0x64: {  	_ =	shalt  }
0x65: {  	_ =	shalt  }
0x66: {  	_ =	shalt  }
0x67: {  	_ =	shalt  }
0x68: {  	_ =	shalt  }
0x69: {  	_ =	shalt  }
0x6a: {  	_ =	shalt  }
0x6b: {  	_ =	shalt  }
0x6c: {  	_ =	shalt  }
0x6d: {  	_ =	shalt  }
0x6e: {  	_ =	shalt  }
0x6f: {  	_ =	shalt  }
0x70: {  	_ =	shalt  }
0x71: {  	_ =	shalt  }
0x72: {  	_ =	shalt  }
0x73: {  	_ =	shalt  }
0x74: {  	_ =	shalt  }
0x75: {  	_ =	shalt  }
0x76: {  	_ =	shalt  }
0x77: {  	_ =	shalt  }
0x78: {  	_ =	shalt  }
0x79: {  	_ =	shalt  }
0x7a: {  	_ =	shalt  }
0x7b: {  	_ =	shalt  }
0x7c: {  	_ =	shalt  }
0x7d: {  	_ =	shalt  }
0x7e: {  	_ =	shalt  }
0x7f: {  	_ =	shalt  }
0x80: {  	_ =	shalt  }
0x81: {  	_ =	shalt  }
0x82: {  	_ =	shalt  }
0x83: {  	_ =	shalt  }
0x84: {  	_ =	shalt  }
0x85: {  	_ =	shalt  }
0x86: {  	_ =	shalt  }
0x87: {  	_ =	shalt  }
.Lfunc_end0:
.L_simem_size_0:
called_computation_lowered:
.L_overlay_start_0:
0x88: {  	s2 =	sld [smem:$0x3FD9]  }
0x89: {  	s3 =	sld [smem:$0x3FFE];
	_ =	sdelay $0x1  }
0x8a: {  	s1 =	srdreg.scid  }
0x8b: {  	s0 =	sand.u32 $0x1, s1  }
0x8c: {  	s14 =	sshll.u32 s0, $0xA;
	s2 =	sadd.s32 s3, s2  }
0x8d: {  	s2 =	sadd.s32 s2, s14  }
0x8e: {  	[smem:$0x3FC6] =	sst s2  }
0x8f: {  	_ = 	snop  }
0x90: {  	s2 =	sld [smem:$0x3FD0];
	_ =	sdelay $0x2  }
0x91: {  	s15 =	simm.s32 $0xA;
	s4 =	simm.s32 $0x10  }
0x92: {  	[smem:s4], [sflag:s15] =	dma.local [hbm:s2], $0x1  }
0x93: {  	_ =	swait.eq [sflag:s15], $0x1  }
0x94: {  	[sflag:s15] =	ssyncset.done $0x0  }
0x95: {  	[sflag:s15] =	ssyncadd.s32 $0xFFFFFFFF  }
0x96: {  	s16 =	sld [smem:$0x10];
	(tm) =	ssettm $0x1  }
0x97: {  	s17 =	sld [smem:$0x3FFB];
	_ =	sdelay $0x3  }
0x98: {  	_ =	strace s17  }
0x99: {  	s3 =	sld [smem:$0x3FFC];
	_ =	sdelay $0x3  }
0x9a: {  	_ =	strace s3  }
0x9b: {  	s3 =	sld [smem:$0x3FFD];
	_ =	sdelay $0x3  }
0x9c: {  	_ =	strace s3  }
0x9d: {  	_ =	strace $0x8FFFFFFF  }
0x9e: {  	s18 =	sld [smem:$0x3FDB];
	_ =	sdelay $0x1  }
0x9f: {  	s19 =	simm.s32 $_scs_section_size  }
0xa0: {  	s5 =	simm.s32 $_size__tile_overlayer_lowered;
	s6 =	simm.s32 $_tile_overlayer_lowered  }
0xa1: {  	s22 =	simm.s32 $0x1BFF;
	s21 =	sshll.u32 s6, $0x1;
	s3 =	sadd.s32 s19, s18  }
0xa2: {  	s7 =	simm.s32 $0x0;
	s20 =	sshll.u32 s5, $0x1;
	s5 =	sadd.s32 s21, s3  }
0xa3: {  	[timem:s7], [sflag:s22] =	dma.local [hbm:s5], s20  }
0xa4: {  	_ =	swait.ge [sflag:s22], s20  }
0xa5: {  	s4 =	ssub.s32 $0x0, s20;
	[sflag:s22] =	ssyncset.done $0x0  }
0xa6: {  	[sflag:s22] =	ssyncadd.s32 s4;
	_ =	sdelay $0x1  }
0xa7: {  	s23 =	simm.s32 $0x1B8B  }
0xa8: {  	_ =	swait.ge [sflag:s23], $0x1  }
0xa9: {  	[sflag:s23] =	ssyncset.done $0x0  }
0xaa: {  	s25 =	simm.s32 $0x1B8E;
	s24 =	sld [smem:$0x3FFE];
	[sflag:s23] =	ssyncadd.s32 $0xFFFFFFFF  }
0xab: {  	s26 =	simm.s32 $execute0_lowered;
	[smem:$0x3FD2] =	sst s25  }
0xac: {  	s5 =	sshll.u32 s26, $0x1;
	_ =	strace $0x80000046;
	[dreg:$0x1] =	wrdreg $0xFFFFFFFF  }
0xad: {  	s28 =	simm.s32 $_size_execute0_lowered;
	s3 =	sadd.s32 s3, s5;
	[dreg:$0x0] =	wrdreg $0x0  }
0xae: {  	s5 =	sshll.u32 s28, $0x1;
	[dreg:$0x2] =	wrdreg s3  }
0xaf: {  	[dreg:$0x3] =	wrdreg s5  }
0xb0: {  	[dreg:$0x4] =	wrdreg $0xC0  }
0xb1: {  	_ =	task [dreg:s7], $0x5FFFF  }
0xb2: {  	[dreg:$0x1] =	wrdreg $0xFFFFFFFF  }
0xb3: {  	[dreg:$0x0] =	wrdreg $0x60  }
0xb4: {  	[dreg:$0x2] =	wrdreg s16  }
0xb5: {  	[dreg:$0x3] =	wrdreg s24  }
0xb6: {  	[dreg:$0x4] =	wrdreg $0x9  }
0xb7: {  	_ =	task.clear_ibuf [dreg:s7], $0x5FFFF;
	_ =	strace $0x90000046  }
0xb8: {  	s29 =	simm.s32 $0x9;
	_ =	strace $0x80000048  }
0xb9: {  	_ =	swait.ge [sflag:s29], $0x1  }
0xba: {  	[sflag:s29] =	ssyncadd.s32 $0xFFFFFFFF  }
0xbb: {  	_ =	strace $0x90000048  }
0xbc: {  	_ =	sfence  }
0xbd: {  	s30 =	sld [smem:$0x0];
	_ =	sdelay $0x2  }
0xbe: {  	s31 =	sshll.u32 s1, $0xD;
	s1 =	sshrl.u32 s1, $0x2  }
0xbf: {  	s3 =	sand.u32 $0x4000, s31;
	s1 =	sadd.s32 s1, s30  }
0xc0: {  	s0 =	sor.u32 s3, s0;
	s1 =	sshll.u32 s1, $0x11  }
0xc1: {  	s0 =	sor.u32 s1, s0  }
0xc2: {  	s0 =	sadd.s32 $0x8F2B, s0  }
0xc3: {  	[sflag:s0] =	ssyncadd.remote.s32 $0x1  }
0xc4: {  	_ =	sfence.sel $0xFFFF  }
0xc5: {  	[dreg:$0x0] =	wrdreg $0xFFFFFFFF;
	(pc) =	sbr.abs _section_cstart, $3  }
0xc6: {  	[dreg:$0x1] =	wrdreg $0xFFFFFFFF  }
0xc7: {  	_ =	task.clear_ibuf [dreg:s7], $0x2FFFF;
	_ =	strace $0x9FFFFFFF  }
0xc8: {  	(tm) =	ssettm $0x7FFFFFFF  }
0xc9: {  	_ =	shalt  }
tec
execute0_lowered:
.L_overlay_start_1:
0x0: {  	(tag) =	ssettag $0x1  }
0x1: {  	s1 =	srdreg.scid  }
0x2: {  	s0 =	stileid.u32;
	s6 =	sand.u32 $0x1, s1  }
0x3: {  	s2 =	rddreg [dreg:$0x0];
	s30 =	sshll.u32 s0, $0xA;
	s3 =	sshll.u32 s6, $0x9  }
0x4: {  	s8 =	rddreg [dreg:$0x1];
	s7 =	simm.s32 $0x1;
	s9 =	sor.u32 s3, s30  }
0x5: {  	s1 =	rddreg [dreg:$0x2];
	s3 =	simm.s32 $0x0;
	s4 =	sshrl.u32 s9, $0x3  }
0x6: {  	s10 =	ssub.s32 $0x2, s6;
	[smem:$0x7FF] =	sst s3;
	s4 =	sadd.s32 s4, s8  }
0x7: {  	_ =	strace $0x80000047;
	s5 =	sadd.s32 $0x800, s4;
	s4 =	simm.s32 $0x2  }
0x8: {  	[tilespmem:s3], [sflag:$0x2] =	stream.linear.gather [hbm4b:s5+s3], $0x200, $0x38;
	[tilespmem:$0x4200] =	vst v63  }
0x9: {  	s6 =	simm.s32 $0x200;
	s11 =	sshrl.u32 s10, $0x1;
	_ =	swait.ge [sflag:s4], $0x200  }
0xa: {  	s9 =	sshll.u32 s9, $0x2;
	s31 =	ssub.s32 s10, s11;
	[sflag:s4] =	ssyncset.done $0x0  }
0xb: {  	s8 =	sadd.s32 s9, s8;
	s9 =	smax.u32 s31, $0x1;
	[sflag:s4] =	ssyncadd.s32 $0xFFFFFE00  }
0xc: {  	[tilespmem:s6], [sflag:$0x1] =	stream.indirect.gather [hbm4b:s2+s6], $0x20, s3, s6, $0xb8;
	[tilespmem:$0x4200] =	vst v63  }
0xd: {  	p0 =	sne.s32 s9, $0x1;
	_ =	swait.ge [sflag:s7], $0x4000  }
.Ltmp0:
0xe: {  	[sflag:s7] =	ssyncset.done $0x0;
	(pc) =	sbr.rel @!p0 .LBB2_2-.Ltmp0, $4  }
0xf: {  	s8 =	sadd.s32 $0x1000, s8;
	[sflag:s7] =	ssyncadd.s32 $0xFFFFC000  }
0x10: {  	[hbm4b:s8+s3] =	stream.linear.scatter [tilespmem:s6], [sflag:$0x2], $0x4000, $0x38;
	[tilespmem:$0x4200] =	vst v63  }
0x11: {  	_ =	swait.ge [sflag:s4], $0x4000  }
0x12: {  	s9 =	sadd.s32 $0xFFFFFFFF, s9;
	[sflag:s4] =	ssyncset.done $0x0  }
.LBB2_1:
0x13: {  	p0 =	sne.s32 s9, $0x1;
	s9 =	sadd.s32 $0xFFFFFFFF, s9;
	[sflag:s4] =	ssyncadd.s32 $0xFFFFC000  }
0x14: {  	[tilespmem:s3], [sflag:$0x2] =	stream.linear.gather [hbm4b:s5+s3], $0x200, $0x38;
	[tilespmem:$0x4200] =	vst v63  }
0x15: {  	_ =	swait.ge [sflag:s4], $0x200  }
0x16: {  	[sflag:s4] =	ssyncset.done $0x0  }
0x17: {  	[sflag:s4] =	ssyncadd.s32 $0xFFFFFE00  }
0x18: {  	[tilespmem:s6], [sflag:$0x1] =	stream.indirect.gather [hbm4b:s2+s6], $0x20, s3, s6, $0xb8;
	[tilespmem:$0x4200] =	vst v63  }
0x19: {  	_ =	swait.ge [sflag:s7], $0x4000  }
.Ltmp1:
0x1a: {  	[sflag:s7] =	ssyncset.done $0x0;
	(pc) =	sbr.rel @p0 .LBB2_1-.Ltmp1, $4  }
0x1b: {  	[sflag:s7] =	ssyncadd.s32 $0xFFFFC000  }
0x1c: {  	[hbm4b:s8+s3] =	stream.linear.scatter [tilespmem:s6], [sflag:$0x2], $0x4000, $0x38;
	[tilespmem:$0x4200] =	vst v63  }
0x1d: {  	_ =	swait.ge [sflag:s4], $0x4000  }
0x1e: {  	[sflag:s4] =	ssyncset.done $0x0  }
.LBB2_2:
0x1f: {  	[sflag:s4] =	ssyncadd.s32 $0xFFFFC000  }
0x20: {  	_ =	sfence.sel $0x180000  }
0x21: {  	[bflag:$0x0] =	sbarrier.arrive $0xFFFF  }
0x22: {  	p0 =	sne.s32 s0, $0x0;
	_ =	strace $0x90000047  }
0x23: {  	s0 =	sadd.s32 @!p0 $0x100000, s1;
	[bflag:$0x2] =	sbarrier.arrive $0xFFFF  }
0x24: {  	[sflag:s0] =	ssyncadd.tile.s32 @!p0 $0x1;
	_ =	shalt  }
.Lfunc_end2:
_tile_overlayer_lowered:
.L_overlay_start_2:
0x25: {  	(tag) =	ssettag $0x2  }
0x26: {  	s0 =	rddreg [dreg:$0x0];
	s2 =	stileid.u32  }
0x27: {  	s1 =	rddreg [dreg:$0x1];
	p0 =	sne.s32 s2, $0x0  }
0x28: {  	s3 =	rddreg [dreg:$0x2];
	[bflag:$0x3] =	sbarrier.arrive $0xFFFF;
	s2 =	simm.s32 @!p0 $0x1C02  }
0x29: {  	[timem:s3], [sflag:s2] =	dma.local @!p0 [hbm:s0], s1  }
0x2a: {  	s0 =	simm.s32 @!p0 $0x2  }
0x2b: {  	_ =	swait.ge @!p0 [sflag:s0], s1  }
0x2c: {  	s1 =	ssub.s32 @!p0 $0x0, s1;
	[sflag:s0] =	ssyncset.done @!p0 $0x0  }
0x2d: {  	[sflag:s0] =	ssyncadd.s32 @!p0 s1  }
0x2e: {  	[bflag:$0x3] =	sbarrier.arrive $0xFFFF  }
0x2f: {  	_ =	shalt  }

</sc_bundles>
